<compile_context>
chip_gen: v7x
topology: tpu7x:2x2x1
jax: 0.10.2.dev20260603
libtpu: 0.0.44.dev20260713+nightly
codegen_flags: <defaults>
</compile_context>

<pallas_src>
import jax
import jax.numpy as jnp
from jax import lax
from jax.experimental import pallas as pl
from jax.experimental.pallas import tpu as pltpu
from jax.experimental.pallas import tpu_sc as plsc

_NC = 2
_NS = 16
_L = 16
_NW = _NC * _NS
_D = 1024
_SLICES = _D // _L
_ROWS = 32 * 1024
_CHUNK = 32
_NACC = 8

_TC_ROWS = 20480
_TC_BLOCK = 2048


def _tc_body(x_ref, o_ref):
    xb = x_ref[...]
    minval = jnp.min(xb, axis=1, keepdims=True)
    iota = lax.broadcasted_iota(jnp.int32, xb.shape, 1).astype(jnp.float32)
    idx = jnp.min(jnp.where(xb == minval, iota, float(_D)), axis=1)
    o_ref[...] = idx.astype(jnp.int32)


def _tc_argmin(xf, nrows):
    return pl.pallas_call(
        _tc_body,
        grid=(nrows // _TC_BLOCK,),
        compiler_params=pltpu.CompilerParams(skip_device_barrier=True),
        in_specs=[pl.BlockSpec((_TC_BLOCK, _D), lambda i: (i, 0))],
        out_specs=pl.BlockSpec((_TC_BLOCK,), lambda i: (i,)),
        out_shape=jax.ShapeDtypeStruct((nrows,), jnp.int32),
    )(xf)


def _merge(va, sa, vb, sb):
    take_b = (vb < va) | ((vb == va) & (sb < sa))
    return jnp.where(take_b, vb, va), jnp.where(take_b, sb, sa)


def _sc_body(rows_per_w, x_hbm, o_hbm, buf, out_v, sem0, sem1):
    nchunks = rows_per_w // _CHUNK
    wid = lax.axis_index("s") * _NC + lax.axis_index("c")
    base_row = _TC_ROWS + wid * rows_per_w
    sems = (sem0, sem1)

    lane = lax.iota(jnp.int32, _L)
    inf16 = jnp.full((_L,), jnp.inf, jnp.float32)
    zero16 = jnp.zeros((_L,), jnp.int32)

    def copy_chunk(c, par):
        return pltpu.make_async_copy(
            x_hbm.at[pl.ds(base_row + c * _CHUNK, _CHUNK), :],
            buf.at[pl.ds(par * _CHUNK, _CHUNK), :],
            sems[par],
        )

    copy_chunk(0, 0).start()
    copy_chunk(1, 1).start()

    def do_chunk(c, par):
        copy_chunk(c, par).wait()

        def row_body(r, res_vec):
            lr = par * _CHUNK + r

            vals = [inf16] * _NACC
            bests = [zero16] * _NACC
            for s in range(_SLICES):
                j = s % _NACC
                v = buf[lr, pl.ds(s * _L, _L)]
                pred = v < vals[j]
                vals[j] = jnp.where(pred, v, vals[j])
                bests[j] = jnp.where(pred, jnp.full((_L,), s, jnp.int32),
                                     bests[j])

            while len(vals) > 1:
                nv, nb = [], []
                for j in range(0, len(vals), 2):
                    mv, mb = _merge(vals[j], bests[j], vals[j + 1], bests[j + 1])
                    nv.append(mv)
                    nb.append(mb)
                vals, bests = nv, nb
            vm, sm = vals[0], bests[0]
            idx16 = sm * _L + lane
            m = lax.reduce_min(vm, (0,))
            idxc = jnp.where(vm == m, idx16, _D)
            best = lax.reduce_min(idxc, (0,))
            res_vec = jnp.where(lane == (r & (_L - 1)),
                                jnp.full((_L,), best, jnp.int32), res_vec)

            @pl.when((r & (_L - 1)) == _L - 1)
            def _():
                out_v[pl.ds(c * _CHUNK + (r & ~(_L - 1)), _L)] = res_vec

            return res_vec

        lax.fori_loop(0, _CHUNK, row_body, zero16)

        @pl.when(c + 2 < nchunks)
        def _():
            copy_chunk(c + 2, par).start()

    def pair_body(p, carry):
        do_chunk(2 * p, 0)
        do_chunk(2 * p + 1, 1)
        return carry

    lax.fori_loop(0, nchunks // 2, pair_body, 0)
    pltpu.sync_copy(out_v, o_hbm.at[pl.ds(wid * rows_per_w, rows_per_w)])


def _sc_argmin(xf, nrows):
    rows_per_w = nrows // _NW
    mesh = plsc.VectorSubcoreMesh(core_axis_name="c", subcore_axis_name="s")
    f = pl.kernel(
        lambda *args: _sc_body(rows_per_w, *args),
        out_type=jax.ShapeDtypeStruct((nrows,), jnp.int32),
        mesh=mesh,
        compiler_params=pltpu.CompilerParams(
            needs_layout_passes=False, use_tc_tiling_on_sc=True,
            skip_device_barrier=True),
        scratch_types=[
            pltpu.VMEM((2 * _CHUNK, _D), jnp.float32),
            pltpu.VMEM((rows_per_w,), jnp.int32),
            pltpu.SemaphoreType.DMA,
            pltpu.SemaphoreType.DMA,
        ],
    )
    return f(xf)


def kernel(x):
    b, d1, d2 = x.shape
    xf = x.reshape(b * d1, d2)
    out_sc = _sc_argmin(xf, _ROWS - _TC_ROWS)
    out_tc = _tc_argmin(xf, _TC_ROWS)
    return jnp.concatenate([out_tc, out_sc]).reshape(b, d1)

# --- scband reference (transcript-rebuilt; emitter-appended) ---
"""Pipeline reference for scband-model-new-4810363371851 (READ-ONLY COPY).

The authoritative reference and input builder live on the scoring server;
editing this copy changes nothing except your own understanding.
"""

import jax, jax.numpy as jnp
import numpy as np

def setup_inputs(seed: int = 0) -> dict:
    key = jax.random.key(seed)
    x = jax.random.normal(key, (32, 1024, 1024), dtype=jnp.float32)
    return {"x": x}

def reference(x):
    # Module computes argmin along dim=2 of a 3D tensor [B, dim1, dim2]
    # (for dim != 0 the custom kernel reduces over the innermost dim, dim2),
    # producing an int32 index tensor of shape [B, dim1].
    return jnp.argmin(x, axis=2).astype(jnp.int32)

if __name__ == "__main__":
    import jax
    _d = setup_inputs()
    print(jax.jit(kernel)(*tuple(_d.values())))

</pallas_src>

<mosaic_0001>
#map = affine_map<(d0, d1) -> (0, 0)>
#map1 = affine_map<(d0, d1) -> (0)>
module attributes {stable_mosaic.version = 14 : i64} {
  func.func @_lambda_(%arg0: i32, %arg1: i32, %arg2: memref<32768x1024xf32, #tpu.memory_space<hbm>>, %arg3: memref<12288xi32, #tpu.memory_space<hbm>>, %arg4: memref<64x1024xf32, #tpu.memory_space<vmem>>, %arg5: memref<384xi32, #tpu.memory_space<vmem>>, %arg6: memref<!tpu.dma_semaphore, #tpu.memory_space<semaphore_mem>>, %arg7: memref<!tpu.dma_semaphore, #tpu.memory_space<semaphore_mem>>) attributes {dimension_semantics = [#tpu.dimension_semantics<core_parallel>, #tpu.dimension_semantics<subcore_parallel>], iteration_bounds = array<i64: 2, 16>, scalar_prefetch = 0 : i64, scratch_operands = 4 : i64, tpu.core_type = #tpu.core_type<sc_vector_subcore>, window_params = [{transform_indices = #map}, {transform_indices = #map1}]} {
    %mul3A = arith.constant 2 : i32
    %mul3A_0 = arith.muli %arg1, %mul3A : i32
    %add3A = arith.addi %mul3A_0, %arg0 : i32
    %mul3A_1 = arith.constant 384 : i32
    %mul3A_2 = arith.muli %add3A, %mul3A_1 : i32
    %add3A_3 = arith.constant 20480 : i32
    %add3A_4 = arith.addi %add3A_3, %mul3A_2 : i32
    %iota3A = tpu.iota {dimensions = array<i32: 0>} : vector<16xi32>
    %broadcast_in_dim3A = arith.constant 0x7F800000 : f32
    %broadcast_in_dim3A_5 = vector.broadcast %broadcast_in_dim3A : f32 to vector<16xf32>
    %broadcast_in_dim3A_6 = arith.constant 0 : i32
    %broadcast_in_dim3A_7 = vector.broadcast %broadcast_in_dim3A_6 : i32 to vector<16xi32>
    %add3A_8 = arith.constant 0 : i32
    %add3A_9 = arith.addi %add3A_4, %add3A_8 : i32
    %dma_start3A = arith.constant 0 : i32
    %dma_start3A_10 = arith.constant 0 : i32
    %dma_start3A_11 = tpu.memref_slice %arg4[%dma_start3A, %dma_start3A_10] : memref<64x1024xf32, #tpu.memory_space<vmem>> -> memref<32x1024xf32, #tpu.memory_space<vmem>>
    %dma_start3A_12 = arith.constant 0 : i32
    %dma_start3A_13 = tpu.memref_slice %arg2[%add3A_9, %dma_start3A_12] : memref<32768x1024xf32, #tpu.memory_space<hbm>> -> memref<32x1024xf32, #tpu.memory_space<hbm>>
    %dma_start3A_14 = arith.constant 0 : i32
    %dma_start3A_15 = arith.constant 0 : i32
    %dma_start3A_16 = tpu.memref_slice %arg4[%dma_start3A_14, %dma_start3A_15] : memref<64x1024xf32, #tpu.memory_space<vmem>> -> memref<32x1024xf32, #tpu.memory_space<vmem>>
    %dma_start3A_17 = arith.constant 0 : i32
    %dma_start3A_18 = tpu.memref_slice %arg2[%add3A_9, %dma_start3A_17] : memref<32768x1024xf32, #tpu.memory_space<hbm>> -> memref<32x1024xf32, #tpu.memory_space<hbm>>
    tpu.enqueue_dma source(%dma_start3A_18 : memref<32x1024xf32, #tpu.memory_space<hbm>>) target(%dma_start3A_16 : memref<32x1024xf32, #tpu.memory_space<vmem>>) target_semaphore(%arg6 : memref<!tpu.dma_semaphore, #tpu.memory_space<semaphore_mem>>)
    %add3A_19 = arith.constant 32 : i32
    %add3A_20 = arith.addi %add3A_4, %add3A_19 : i32
    %dma_start3A_21 = arith.constant 32 : i32
    %dma_start3A_22 = arith.constant 0 : i32
    %dma_start3A_23 = tpu.memref_slice %arg4[%dma_start3A_21, %dma_start3A_22] : memref<64x1024xf32, #tpu.memory_space<vmem>> -> memref<32x1024xf32, #tpu.memory_space<vmem>>
    %dma_start3A_24 = arith.constant 0 : i32
    %dma_start3A_25 = tpu.memref_slice %arg2[%add3A_20, %dma_start3A_24] : memref<32768x1024xf32, #tpu.memory_space<hbm>> -> memref<32x1024xf32, #tpu.memory_space<hbm>>
    %dma_start3A_26 = arith.constant 32 : i32
    %dma_start3A_27 = arith.constant 0 : i32
    %dma_start3A_28 = tpu.memref_slice %arg4[%dma_start3A_26, %dma_start3A_27] : memref<64x1024xf32, #tpu.memory_space<vmem>> -> memref<32x1024xf32, #tpu.memory_space<vmem>>
    %dma_start3A_29 = arith.constant 0 : i32
    %dma_start3A_30 = tpu.memref_slice %arg2[%add3A_20, %dma_start3A_29] : memref<32768x1024xf32, #tpu.memory_space<hbm>> -> memref<32x1024xf32, #tpu.memory_space<hbm>>
    tpu.enqueue_dma source(%dma_start3A_30 : memref<32x1024xf32, #tpu.memory_space<hbm>>) target(%dma_start3A_28 : memref<32x1024xf32, #tpu.memory_space<vmem>>) target_semaphore(%arg7 : memref<!tpu.dma_semaphore, #tpu.memory_space<semaphore_mem>>)
    %scan3A = arith.constant 0 : i32
    %scan3A_31 = arith.constant 0 : i32
    %scan3A_32 = arith.constant 6 : i32
    %scan3A_33 = arith.addi %scan3A_31, %scan3A_32 : i32
    %scan3A_34 = arith.constant 1 : i32
    scf.for %scan3A_38 = %scan3A_31 to %scan3A_33 step %scan3A_34  : i32 {
      %mul3A_39 = arith.constant 2 : i32
      %mul3A_40 = arith.muli %mul3A_39, %scan3A_38 : i32
      %mul3A_41 = arith.constant 32 : i32
      %mul3A_42 = arith.muli %mul3A_40, %mul3A_41 : i32
      %add3A_43 = arith.addi %add3A_4, %mul3A_42 : i32
      %dma_wait3A = arith.constant 0 : i32
      %dma_wait3A_44 = arith.constant 0 : i32
      %dma_wait3A_45 = tpu.memref_slice %arg4[%dma_wait3A, %dma_wait3A_44] : memref<64x1024xf32, #tpu.memory_space<vmem>> -> memref<32x1024xf32, #tpu.memory_space<vmem>>
      %dma_wait3A_46 = arith.constant 0 : i32
      %dma_wait3A_47 = tpu.memref_slice %arg2[%add3A_43, %dma_wait3A_46] : memref<32768x1024xf32, #tpu.memory_space<hbm>> -> memref<32x1024xf32, #tpu.memory_space<hbm>>
      %dma_wait3A_48 = arith.constant 0 : i32
      %dma_wait3A_49 = arith.constant 0 : i32
      %dma_wait3A_50 = tpu.memref_slice %arg4[%dma_wait3A_48, %dma_wait3A_49] : memref<64x1024xf32, #tpu.memory_space<vmem>> -> memref<32x1024xf32, #tpu.memory_space<vmem>>
      %dma_wait3A_51 = arith.constant 0 : i32
      %dma_wait3A_52 = tpu.memref_slice %arg2[%add3A_43, %dma_wait3A_51] : memref<32768x1024xf32, #tpu.memory_space<hbm>> -> memref<32x1024xf32, #tpu.memory_space<hbm>>
      tpu.wait_dma2 semaphore(%arg6 : memref<!tpu.dma_semaphore, #tpu.memory_space<semaphore_mem>>) src(%dma_wait3A_52 : memref<32x1024xf32, #tpu.memory_space<hbm>>) dst(%dma_wait3A_50 : memref<32x1024xf32, #tpu.memory_space<vmem>>)
      %scan3A_53 = arith.constant 0 : i32
      %scan3A_54 = arith.constant 32 : i32
      %scan3A_55 = arith.addi %scan3A_53, %scan3A_54 : i32
      %scan3A_56 = arith.constant 1 : i32
      %scan3A_57 = scf.for %scan3A_93 = %scan3A_53 to %scan3A_55 step %scan3A_56 iter_args(%scan3A_94 = %broadcast_in_dim3A_7) -> (vector<16xi32>)  : i32 {
        %add3A_95 = arith.constant 0 : i32
        %add3A_96 = arith.addi %add3A_95, %scan3A_93 : i32
        %get3A = arith.index_cast %add3A_96 : i32 to index
        %get3A_97 = arith.constant 0 : index
        %get3A_98 = tpu.vector_load %arg4[%get3A, %get3A_97] {strides = array<i32>} : memref<64x1024xf32, #tpu.memory_space<vmem>>, vector<16xf32>,
        %lt3A_99 = arith.cmpf olt, %get3A_98, %broadcast_in_dim3A_5 : vector<16xf32>
        %select_n3A = arith.select %lt3A_99, %get3A_98, %broadcast_in_dim3A_5 : vector<16xi1>, vector<16xf32>
        %broadcast_in_dim3A_100 = arith.constant 0 : i32
        %broadcast_in_dim3A_101 = vector.broadcast %broadcast_in_dim3A_100 : i32 to vector<16xi32>
        %select_n3A_102 = arith.select %lt3A_99, %broadcast_in_dim3A_101, %broadcast_in_dim3A_7 : vector<16xi1>, vector<16xi32>
        %get3A_103 = arith.index_cast %add3A_96 : i32 to index
        %get3A_104 = arith.constant 16 : index
        %get3A_105 = tpu.vector_load %arg4[%get3A_103, %get3A_104] {strides = array<i32>} : memref<64x1024xf32, #tpu.memory_space<vmem>>, vector<16xf32>,
        %lt3A_106 = arith.cmpf olt, %get3A_105, %broadcast_in_dim3A_5 : vector<16xf32>
        %select_n3A_107 = arith.select %lt3A_106, %get3A_105, %broadcast_in_dim3A_5 : vector<16xi1>, vector<16xf32>
        %broadcast_in_dim3A_108 = arith.constant 1 : i32
        %broadcast_in_dim3A_109 = vector.broadcast %broadcast_in_dim3A_108 : i32 to vector<16xi32>
        %select_n3A_110 = arith.select %lt3A_106, %broadcast_in_dim3A_109, %broadcast_in_dim3A_7 : vector<16xi1>, vector<16xi32>
        %get3A_111 = arith.index_cast %add3A_96 : i32 to index
        %get3A_112 = arith.constant 32 : index
        %get3A_113 = tpu.vector_load %arg4[%get3A_111, %get3A_112] {strides = array<i32>} : memref<64x1024xf32, #tpu.memory_space<vmem>>, vector<16xf32>,
        %lt3A_114 = arith.cmpf olt, %get3A_113, %broadcast_in_dim3A_5 : vector<16xf32>
        %select_n3A_115 = arith.select %lt3A_114, %get3A_113, %broadcast_in_dim3A_5 : vector<16xi1>, vector<16xf32>
        %broadcast_in_dim3A_116 = arith.constant 2 : i32
        %broadcast_in_dim3A_117 = vector.broadcast %broadcast_in_dim3A_116 : i32 to vector<16xi32>
        %select_n3A_118 = arith.select %lt3A_114, %broadcast_in_dim3A_117, %broadcast_in_dim3A_7 : vector<16xi1>, vector<16xi32>
        %get3A_119 = arith.index_cast %add3A_96 : i32 to index
        %get3A_120 = arith.constant 48 : index
        %get3A_121 = tpu.vector_load %arg4[%get3A_119, %get3A_120] {strides = array<i32>} : memref<64x1024xf32, #tpu.memory_space<vmem>>, vector<16xf32>,
        %lt3A_122 = arith.cmpf olt, %get3A_121, %broadcast_in_dim3A_5 : vector<16xf32>
        %select_n3A_123 = arith.select %lt3A_122, %get3A_121, %broadcast_in_dim3A_5 : vector<16xi1>, vector<16xf32>
        %broadcast_in_dim3A_124 = arith.constant 3 : i32
        %broadcast_in_dim3A_125 = vector.broadcast %broadcast_in_dim3A_124 : i32 to vector<16xi32>
        %select_n3A_126 = arith.select %lt3A_122, %broadcast_in_dim3A_125, %broadcast_in_dim3A_7 : vector<16xi1>, vector<16xi32>
        %get3A_127 = arith.index_cast %add3A_96 : i32 to index
        %get3A_128 = arith.constant 64 : index
        %get3A_129 = tpu.vector_load %arg4[%get3A_127, %get3A_128] {strides = array<i32>} : memref<64x1024xf32, #tpu.memory_space<vmem>>, vector<16xf32>,
        %lt3A_130 = arith.cmpf olt, %get3A_129, %broadcast_in_dim3A_5 : vector<16xf32>
        %select_n3A_131 = arith.select %lt3A_130, %get3A_129, %broadcast_in_dim3A_5 : vector<16xi1>, vector<16xf32>
        %broadcast_in_dim3A_132 = arith.constant 4 : i32
        %broadcast_in_dim3A_133 = vector.broadcast %broadcast_in_dim3A_132 : i32 to vector<16xi32>
        %select_n3A_134 = arith.select %lt3A_130, %broadcast_in_dim3A_133, %broadcast_in_dim3A_7 : vector<16xi1>, vector<16xi32>
        %get3A_135 = arith.index_cast %add3A_96 : i32 to index
        %get3A_136 = arith.constant 80 : index
        %get3A_137 = tpu.vector_load %arg4[%get3A_135, %get3A_136] {strides = array<i32>} : memref<64x1024xf32, #tpu.memory_space<vmem>>, vector<16xf32>,
        %lt3A_138 = arith.cmpf olt, %get3A_137, %broadcast_in_dim3A_5 : vector<16xf32>
        %select_n3A_139 = arith.select %lt3A_138, %get3A_137, %broadcast_in_dim3A_5 : vector<16xi1>, vector<16xf32>
        %broadcast_in_dim3A_140 = arith.constant 5 : i32
        %broadcast_in_dim3A_141 = vector.broadcast %broadcast_in_dim3A_140 : i32 to vector<16xi32>
        %select_n3A_142 = arith.select %lt3A_138, %broadcast_in_dim3A_141, %broadcast_in_dim3A_7 : vector<16xi1>, vector<16xi32>
        %get3A_143 = arith.index_cast %add3A_96 : i32 to index
        %get3A_144 = arith.constant 96 : index
        %get3A_145 = tpu.vector_load %arg4[%get3A_143, %get3A_144] {strides = array<i32>} : memref<64x1024xf32, #tpu.memory_space<vmem>>, vector<16xf32>,
        %lt3A_146 = arith.cmpf olt, %get3A_145, %broadcast_in_dim3A_5 : vector<16xf32>
        %select_n3A_147 = arith.select %lt3A_146, %get3A_145, %broadcast_in_dim3A_5 : vector<16xi1>, vector<16xf32>
        %broadcast_in_dim3A_148 = arith.constant 6 : i32
        %broadcast_in_dim3A_149 = vector.broadcast %broadcast_in_dim3A_148 : i32 to vector<16xi32>
        %select_n3A_150 = arith.select %lt3A_146, %broadcast_in_dim3A_149, %broadcast_in_dim3A_7 : vector<16xi1>, vector<16xi32>
        %get3A_151 = arith.index_cast %add3A_96 : i32 to index
        %get3A_152 = arith.constant 112 : index
        %get3A_153 = tpu.vector_load %arg4[%get3A_151, %get3A_152] {strides = array<i32>} : memref<64x1024xf32, #tpu.memory_space<vmem>>, vector<16xf32>,
        %lt3A_154 = arith.cmpf olt, %get3A_153, %broadcast_in_dim3A_5 : vector<16xf32>
        %select_n3A_155 = arith.select %lt3A_154, %get3A_153, %broadcast_in_dim3A_5 : vector<16xi1>, vector<16xf32>
        %broadcast_in_dim3A_156 = arith.constant 7 : i32
        %broadcast_in_dim3A_157 = vector.broadcast %broadcast_in_dim3A_156 : i32 to vector<16xi32>
        %select_n3A_158 = arith.select %lt3A_154, %broadcast_in_dim3A_157, %broadcast_in_dim3A_7 : vector<16xi1>, vector<16xi32>
        %get3A_159 = arith.index_cast %add3A_96 : i32 to index
        %get3A_160 = arith.constant 128 : index
        %get3A_161 = tpu.vector_load %arg4[%get3A_159, %get3A_160] {strides = array<i32>} : memref<64x1024xf32, #tpu.memory_space<vmem>>, vector<16xf32>,
        %lt3A_162 = arith.cmpf olt, %get3A_161, %select_n3A : vector<16xf32>
        %select_n3A_163 = arith.select %lt3A_162, %get3A_161, %select_n3A : vector<16xi1>, vector<16xf32>
        %broadcast_in_dim3A_164 = arith.constant 8 : i32
        %broadcast_in_dim3A_165 = vector.broadcast %broadcast_in_dim3A_164 : i32 to vector<16xi32>
        %select_n3A_166 = arith.select %lt3A_162, %broadcast_in_dim3A_165, %select_n3A_102 : vector<16xi1>, vector<16xi32>
        %get3A_167 = arith.index_cast %add3A_96 : i32 to index
        %get3A_168 = arith.constant 144 : index
        %get3A_169 = tpu.vector_load %arg4[%get3A_167, %get3A_168] {strides = array<i32>} : memref<64x1024xf32, #tpu.memory_space<vmem>>, vector<16xf32>,
        %lt3A_170 = arith.cmpf olt, %get3A_169, %select_n3A_107 : vector<16xf32>
        %select_n3A_171 = arith.select %lt3A_170, %get3A_169, %select_n3A_107 : vector<16xi1>, vector<16xf32>
        %broadcast_in_dim3A_172 = arith.constant 9 : i32
        %broadcast_in_dim3A_173 = vector.broadcast %broadcast_in_dim3A_172 : i32 to vector<16xi32>
        %select_n3A_174 = arith.select %lt3A_170, %broadcast_in_dim3A_173, %select_n3A_110 : vector<16xi1>, vector<16xi32>
        %get3A_175 = arith.index_cast %add3A_96 : i32 to index
        %get3A_176 = arith.constant 160 : index
        %get3A_177 = tpu.vector_load %arg4[%get3A_175, %get3A_176] {strides = array<i32>} : memref<64x1024xf32, #tpu.memory_space<vmem>>, vector<16xf32>,
        %lt3A_178 = arith.cmpf olt, %get3A_177, %select_n3A_115 : vector<16xf32>
        %select_n3A_179 = arith.select %lt3A_178, %get3A_177, %select_n3A_115 : vector<16xi1>, vector<16xf32>
        %broadcast_in_dim3A_180 = arith.constant 10 : i32
        %broadcast_in_dim3A_181 = vector.broadcast %broadcast_in_dim3A_180 : i32 to vector<16xi32>
        %select_n3A_182 = arith.select %lt3A_178, %broadcast_in_dim3A_181, %select_n3A_118 : vector<16xi1>, vector<16xi32>
        %get3A_183 = arith.index_cast %add3A_96 : i32 to index
        %get3A_184 = arith.constant 176 : index
        %get3A_185 = tpu.vector_load %arg4[%get3A_183, %get3A_184] {strides = array<i32>} : memref<64x1024xf32, #tpu.memory_space<vmem>>, vector<16xf32>,
        %lt3A_186 = arith.cmpf olt, %get3A_185, %select_n3A_123 : vector<16xf32>
        %select_n3A_187 = arith.select %lt3A_186, %get3A_185, %select_n3A_123 : vector<16xi1>, vector<16xf32>
        %broadcast_in_dim3A_188 = arith.constant 11 : i32
        %broadcast_in_dim3A_189 = vector.broadcast %broadcast_in_dim3A_188 : i32 to vector<16xi32>
        %select_n3A_190 = arith.select %lt3A_186, %broadcast_in_dim3A_189, %select_n3A_126 : vector<16xi1>, vector<16xi32>
        %get3A_191 = arith.index_cast %add3A_96 : i32 to index
        %get3A_192 = arith.constant 192 : index
        %get3A_193 = tpu.vector_load %arg4[%get3A_191, %get3A_192] {strides = array<i32>} : memref<64x1024xf32, #tpu.memory_space<vmem>>, vector<16xf32>,
        %lt3A_194 = arith.cmpf olt, %get3A_193, %select_n3A_131 : vector<16xf32>
        %select_n3A_195 = arith.select %lt3A_194, %get3A_193, %select_n3A_131 : vector<16xi1>, vector<16xf32>
        %broadcast_in_dim3A_196 = arith.constant 12 : i32
        %broadcast_in_dim3A_197 = vector.broadcast %broadcast_in_dim3A_196 : i32 to vector<16xi32>
        %select_n3A_198 = arith.select %lt3A_194, %broadcast_in_dim3A_197, %select_n3A_134 : vector<16xi1>, vector<16xi32>
        %get3A_199 = arith.index_cast %add3A_96 : i32 to index
        %get3A_200 = arith.constant 208 : index
        %get3A_201 = tpu.vector_load %arg4[%get3A_199, %get3A_200] {strides = array<i32>} : memref<64x1024xf32, #tpu.memory_space<vmem>>, vector<16xf32>,
        %lt3A_202 = arith.cmpf olt, %get3A_201, %select_n3A_139 : vector<16xf32>
        %select_n3A_203 = arith.select %lt3A_202, %get3A_201, %select_n3A_139 : vector<16xi1>, vector<16xf32>
        %broadcast_in_dim3A_204 = arith.constant 13 : i32
        %broadcast_in_dim3A_205 = vector.broadcast %broadcast_in_dim3A_204 : i32 to vector<16xi32>
        %select_n3A_206 = arith.select %lt3A_202, %broadcast_in_dim3A_205, %select_n3A_142 : vector<16xi1>, vector<16xi32>
        %get3A_207 = arith.index_cast %add3A_96 : i32 to index
        %get3A_208 = arith.constant 224 : index
        %get3A_209 = tpu.vector_load %arg4[%get3A_207, %get3A_208] {strides = array<i32>} : memref<64x1024xf32, #tpu.memory_space<vmem>>, vector<16xf32>,
        %lt3A_210 = arith.cmpf olt, %get3A_209, %select_n3A_147 : vector<16xf32>
        %select_n3A_211 = arith.select %lt3A_210, %get3A_209, %select_n3A_147 : vector<16xi1>, vector<16xf32>
        %broadcast_in_dim3A_212 = arith.constant 14 : i32
        %broadcast_in_dim3A_213 = vector.broadcast %broadcast_in_dim3A_212 : i32 to vector<16xi32>
        %select_n3A_214 = arith.select %lt3A_210, %broadcast_in_dim3A_213, %select_n3A_150 : vector<16xi1>, vector<16xi32>
        %get3A_215 = arith.index_cast %add3A_96 : i32 to index
        %get3A_216 = arith.constant 240 : index
        %get3A_217 = tpu.vector_load %arg4[%get3A_215, %get3A_216] {strides = array<i32>} : memref<64x1024xf32, #tpu.memory_space<vmem>>, vector<16xf32>,
        %lt3A_218 = arith.cmpf olt, %get3A_217, %select_n3A_155 : vector<16xf32>
        %select_n3A_219 = arith.select %lt3A_218, %get3A_217, %select_n3A_155 : vector<16xi1>, vector<16xf32>
        %broadcast_in_dim3A_220 = arith.constant 15 : i32
        %broadcast_in_dim3A_221 = vector.broadcast %broadcast_in_dim3A_220 : i32 to vector<16xi32>
        %select_n3A_222 = arith.select %lt3A_218, %broadcast_in_dim3A_221, %select_n3A_158 : vector<16xi1>, vector<16xi32>
        %get3A_223 = arith.index_cast %add3A_96 : i32 to index
        %get3A_224 = arith.constant 256 : index
        %get3A_225 = tpu.vector_load %arg4[%get3A_223, %get3A_224] {strides = array<i32>} : memref<64x1024xf32, #tpu.memory_space<vmem>>, vector<16xf32>,
        %lt3A_226 = arith.cmpf olt, %get3A_225, %select_n3A_163 : vector<16xf32>
        %select_n3A_227 = arith.select %lt3A_226, %get3A_225, %select_n3A_163 : vector<16xi1>, vector<16xf32>
        %broadcast_in_dim3A_228 = arith.constant 16 : i32
        %broadcast_in_dim3A_229 = vector.broadcast %broadcast_in_dim3A_228 : i32 to vector<16xi32>
        %select_n3A_230 = arith.select %lt3A_226, %broadcast_in_dim3A_229, %select_n3A_166 : vector<16xi1>, vector<16xi32>
        %get3A_231 = arith.index_cast %add3A_96 : i32 to index
        %get3A_232 = arith.constant 272 : index
        %get3A_233 = tpu.vector_load %arg4[%get3A_231, %get3A_232] {strides = array<i32>} : memref<64x1024xf32, #tpu.memory_space<vmem>>, vector<16xf32>,
        %lt3A_234 = arith.cmpf olt, %get3A_233, %select_n3A_171 : vector<16xf32>
        %select_n3A_235 = arith.select %lt3A_234, %get3A_233, %select_n3A_171 : vector<16xi1>, vector<16xf32>
        %broadcast_in_dim3A_236 = arith.constant 17 : i32
        %broadcast_in_dim3A_237 = vector.broadcast %broadcast_in_dim3A_236 : i32 to vector<16xi32>
        %select_n3A_238 = arith.select %lt3A_234, %broadcast_in_dim3A_237, %select_n3A_174 : vector<16xi1>, vector<16xi32>
        %get3A_239 = arith.index_cast %add3A_96 : i32 to index
        %get3A_240 = arith.constant 288 : index
        %get3A_241 = tpu.vector_load %arg4[%get3A_239, %get3A_240] {strides = array<i32>} : memref<64x1024xf32, #tpu.memory_space<vmem>>, vector<16xf32>,
        %lt3A_242 = arith.cmpf olt, %get3A_241, %select_n3A_179 : vector<16xf32>
        %select_n3A_243 = arith.select %lt3A_242, %get3A_241, %select_n3A_179 : vector<16xi1>, vector<16xf32>
        %broadcast_in_dim3A_244 = arith.constant 18 : i32
        %broadcast_in_dim3A_245 = vector.broadcast %broadcast_in_dim3A_244 : i32 to vector<16xi32>
        %select_n3A_246 = arith.select %lt3A_242, %broadcast_in_dim3A_245, %select_n3A_182 : vector<16xi1>, vector<16xi32>
        %get3A_247 = arith.index_cast %add3A_96 : i32 to index
        %get3A_248 = arith.constant 304 : index
        %get3A_249 = tpu.vector_load %arg4[%get3A_247, %get3A_248] {strides = array<i32>} : memref<64x1024xf32, #tpu.memory_space<vmem>>, vector<16xf32>,
        %lt3A_250 = arith.cmpf olt, %get3A_249, %select_n3A_187 : vector<16xf32>
        %select_n3A_251 = arith.select %lt3A_250, %get3A_249, %select_n3A_187 : vector<16xi1>, vector<16xf32>
        %broadcast_in_dim3A_252 = arith.constant 19 : i32
        %broadcast_in_dim3A_253 = vector.broadcast %broadcast_in_dim3A_252 : i32 to vector<16xi32>
        %select_n3A_254 = arith.select %lt3A_250, %broadcast_in_dim3A_253, %select_n3A_190 : vector<16xi1>, vector<16xi32>
        %get3A_255 = arith.index_cast %add3A_96 : i32 to index
        %get3A_256 = arith.constant 320 : index
        %get3A_257 = tpu.vector_load %arg4[%get3A_255, %get3A_256] {strides = array<i32>} : memref<64x1024xf32, #tpu.memory_space<vmem>>, vector<16xf32>,
        %lt3A_258 = arith.cmpf olt, %get3A_257, %select_n3A_195 : vector<16xf32>
        %select_n3A_259 = arith.select %lt3A_258, %get3A_257, %select_n3A_195 : vector<16xi1>, vector<16xf32>
        %broadcast_in_dim3A_260 = arith.constant 20 : i32
        %broadcast_in_dim3A_261 = vector.broadcast %broadcast_in_dim3A_260 : i32 to vector<16xi32>
        %select_n3A_262 = arith.select %lt3A_258, %broadcast_in_dim3A_261, %select_n3A_198 : vector<16xi1>, vector<16xi32>
        %get3A_263 = arith.index_cast %add3A_96 : i32 to index
        %get3A_264 = arith.constant 336 : index
        %get3A_265 = tpu.vector_load %arg4[%get3A_263, %get3A_264] {strides = array<i32>} : memref<64x1024xf32, #tpu.memory_space<vmem>>, vector<16xf32>,
        %lt3A_266 = arith.cmpf olt, %get3A_265, %select_n3A_203 : vector<16xf32>
        %select_n3A_267 = arith.select %lt3A_266, %get3A_265, %select_n3A_203 : vector<16xi1>, vector<16xf32>
        %broadcast_in_dim3A_268 = arith.constant 21 : i32
        %broadcast_in_dim3A_269 = vector.broadcast %broadcast_in_dim3A_268 : i32 to vector<16xi32>
        %select_n3A_270 = arith.select %lt3A_266, %broadcast_in_dim3A_269, %select_n3A_206 : vector<16xi1>, vector<16xi32>
        %get3A_271 = arith.index_cast %add3A_96 : i32 to index
        %get3A_272 = arith.constant 352 : index
        %get3A_273 = tpu.vector_load %arg4[%get3A_271, %get3A_272] {strides = array<i32>} : memref<64x1024xf32, #tpu.memory_space<vmem>>, vector<16xf32>,
        %lt3A_274 = arith.cmpf olt, %get3A_273, %select_n3A_211 : vector<16xf32>
        %select_n3A_275 = arith.select %lt3A_274, %get3A_273, %select_n3A_211 : vector<16xi1>, vector<16xf32>
        %broadcast_in_dim3A_276 = arith.constant 22 : i32
        %broadcast_in_dim3A_277 = vector.broadcast %broadcast_in_dim3A_276 : i32 to vector<16xi32>
        %select_n3A_278 = arith.select %lt3A_274, %broadcast_in_dim3A_277, %select_n3A_214 : vector<16xi1>, vector<16xi32>
        %get3A_279 = arith.index_cast %add3A_96 : i32 to index
        %get3A_280 = arith.constant 368 : index
        %get3A_281 = tpu.vector_load %arg4[%get3A_279, %get3A_280] {strides = array<i32>} : memref<64x1024xf32, #tpu.memory_space<vmem>>, vector<16xf32>,
        %lt3A_282 = arith.cmpf olt, %get3A_281, %select_n3A_219 : vector<16xf32>
        %select_n3A_283 = arith.select %lt3A_282, %get3A_281, %select_n3A_219 : vector<16xi1>, vector<16xf32>
        %broadcast_in_dim3A_284 = arith.constant 23 : i32
        %broadcast_in_dim3A_285 = vector.broadcast %broadcast_in_dim3A_284 : i32 to vector<16xi32>
        %select_n3A_286 = arith.select %lt3A_282, %broadcast_in_dim3A_285, %select_n3A_222 : vector<16xi1>, vector<16xi32>
        %get3A_287 = arith.index_cast %add3A_96 : i32 to index
        %get3A_288 = arith.constant 384 : index
        %get3A_289 = tpu.vector_load %arg4[%get3A_287, %get3A_288] {strides = array<i32>} : memref<64x1024xf32, #tpu.memory_space<vmem>>, vector<16xf32>,
        %lt3A_290 = arith.cmpf olt, %get3A_289, %select_n3A_227 : vector<16xf32>
        %select_n3A_291 = arith.select %lt3A_290, %get3A_289, %select_n3A_227 : vector<16xi1>, vector<16xf32>
        %broadcast_in_dim3A_292 = arith.constant 24 : i32
        %broadcast_in_dim3A_293 = vector.broadcast %broadcast_in_dim3A_292 : i32 to vector<16xi32>
        %select_n3A_294 = arith.select %lt3A_290, %broadcast_in_dim3A_293, %select_n3A_230 : vector<16xi1>, vector<16xi32>
        %get3A_295 = arith.index_cast %add3A_96 : i32 to index
        %get3A_296 = arith.constant 400 : index
        %get3A_297 = tpu.vector_load %arg4[%get3A_295, %get3A_296] {strides = array<i32>} : memref<64x1024xf32, #tpu.memory_space<vmem>>, vector<16xf32>,
        %lt3A_298 = arith.cmpf olt, %get3A_297, %select_n3A_235 : vector<16xf32>
        %select_n3A_299 = arith.select %lt3A_298, %get3A_297, %select_n3A_235 : vector<16xi1>, vector<16xf32>
        %broadcast_in_dim3A_300 = arith.constant 25 : i32
        %broadcast_in_dim3A_301 = vector.broadcast %broadcast_in_dim3A_300 : i32 to vector<16xi32>
        %select_n3A_302 = arith.select %lt3A_298, %broadcast_in_dim3A_301, %select_n3A_238 : vector<16xi1>, vector<16xi32>
        %get3A_303 = arith.index_cast %add3A_96 : i32 to index
        %get3A_304 = arith.constant 416 : index
        %get3A_305 = tpu.vector_load %arg4[%get3A_303, %get3A_304] {strides = array<i32>} : memref<64x1024xf32, #tpu.memory_space<vmem>>, vector<16xf32>,
        %lt3A_306 = arith.cmpf olt, %get3A_305, %select_n3A_243 : vector<16xf32>
        %select_n3A_307 = arith.select %lt3A_306, %get3A_305, %select_n3A_243 : vector<16xi1>, vector<16xf32>
        %broadcast_in_dim3A_308 = arith.constant 26 : i32
        %broadcast_in_dim3A_309 = vector.broadcast %broadcast_in_dim3A_308 : i32 to vector<16xi32>
        %select_n3A_310 = arith.select %lt3A_306, %broadcast_in_dim3A_309, %select_n3A_246 : vector<16xi1>, vector<16xi32>
        %get3A_311 = arith.index_cast %add3A_96 : i32 to index
        %get3A_312 = arith.constant 432 : index
        %get3A_313 = tpu.vector_load %arg4[%get3A_311, %get3A_312] {strides = array<i32>} : memref<64x1024xf32, #tpu.memory_space<vmem>>, vector<16xf32>,
        %lt3A_314 = arith.cmpf olt, %get3A_313, %select_n3A_251 : vector<16xf32>
        %select_n3A_315 = arith.select %lt3A_314, %get3A_313, %select_n3A_251 : vector<16xi1>, vector<16xf32>
        %broadcast_in_dim3A_316 = arith.constant 27 : i32
        %broadcast_in_dim3A_317 = vector.broadcast %broadcast_in_dim3A_316 : i32 to vector<16xi32>
        %select_n3A_318 = arith.select %lt3A_314, %broadcast_in_dim3A_317, %select_n3A_254 : vector<16xi1>, vector<16xi32>
        %get3A_319 = arith.index_cast %add3A_96 : i32 to index
        %get3A_320 = arith.constant 448 : index
        %get3A_321 = tpu.vector_load %arg4[%get3A_319, %get3A_320] {strides = array<i32>} : memref<64x1024xf32, #tpu.memory_space<vmem>>, vector<16xf32>,
        %lt3A_322 = arith.cmpf olt, %get3A_321, %select_n3A_259 : vector<16xf32>
        %select_n3A_323 = arith.select %lt3A_322, %get3A_321, %select_n3A_259 : vector<16xi1>, vector<16xf32>
        %broadcast_in_dim3A_324 = arith.constant 28 : i32
        %broadcast_in_dim3A_325 = vector.broadcast %broadcast_in_dim3A_324 : i32 to vector<16xi32>
        %select_n3A_326 = arith.select %lt3A_322, %broadcast_in_dim3A_325, %select_n3A_262 : vector<16xi1>, vector<16xi32>
        %get3A_327 = arith.index_cast %add3A_96 : i32 to index
        %get3A_328 = arith.constant 464 : index
        %get3A_329 = tpu.vector_load %arg4[%get3A_327, %get3A_328] {strides = array<i32>} : memref<64x1024xf32, #tpu.memory_space<vmem>>, vector<16xf32>,
        %lt3A_330 = arith.cmpf olt, %get3A_329, %select_n3A_267 : vector<16xf32>
        %select_n3A_331 = arith.select %lt3A_330, %get3A_329, %select_n3A_267 : vector<16xi1>, vector<16xf32>
        %broadcast_in_dim3A_332 = arith.constant 29 : i32
        %broadcast_in_dim3A_333 = vector.broadcast %broadcast_in_dim3A_332 : i32 to vector<16xi32>
        %select_n3A_334 = arith.select %lt3A_330, %broadcast_in_dim3A_333, %select_n3A_270 : vector<16xi1>, vector<16xi32>
        %get3A_335 = arith.index_cast %add3A_96 : i32 to index
        %get3A_336 = arith.constant 480 : index
        %get3A_337 = tpu.vector_load %arg4[%get3A_335, %get3A_336] {strides = array<i32>} : memref<64x1024xf32, #tpu.memory_space<vmem>>, vector<16xf32>,
        %lt3A_338 = arith.cmpf olt, %get3A_337, %select_n3A_275 : vector<16xf32>
        %select_n3A_339 = arith.select %lt3A_338, %get3A_337, %select_n3A_275 : vector<16xi1>, vector<16xf32>
        %broadcast_in_dim3A_340 = arith.constant 30 : i32
        %broadcast_in_dim3A_341 = vector.broadcast %broadcast_in_dim3A_340 : i32 to vector<16xi32>
        %select_n3A_342 = arith.select %lt3A_338, %broadcast_in_dim3A_341, %select_n3A_278 : vector<16xi1>, vector<16xi32>
        %get3A_343 = arith.index_cast %add3A_96 : i32 to index
        %get3A_344 = arith.constant 496 : index
        %get3A_345 = tpu.vector_load %arg4[%get3A_343, %get3A_344] {strides = array<i32>} : memref<64x1024xf32, #tpu.memory_space<vmem>>, vector<16xf32>,
        %lt3A_346 = arith.cmpf olt, %get3A_345, %select_n3A_283 : vector<16xf32>
        %select_n3A_347 = arith.select %lt3A_346, %get3A_345, %select_n3A_283 : vector<16xi1>, vector<16xf32>
        %broadcast_in_dim3A_348 = arith.constant 31 : i32
        %broadcast_in_dim3A_349 = vector.broadcast %broadcast_in_dim3A_348 : i32 to vector<16xi32>
        %select_n3A_350 = arith.select %lt3A_346, %broadcast_in_dim3A_349, %select_n3A_286 : vector<16xi1>, vector<16xi32>
        %get3A_351 = arith.index_cast %add3A_96 : i32 to index
        %get3A_352 = arith.constant 512 : index
        %get3A_353 = tpu.vector_load %arg4[%get3A_351, %get3A_352] {strides = array<i32>} : memref<64x1024xf32, #tpu.memory_space<vmem>>, vector<16xf32>,
        %lt3A_354 = arith.cmpf olt, %get3A_353, %select_n3A_291 : vector<16xf32>
        %select_n3A_355 = arith.select %lt3A_354, %get3A_353, %select_n3A_291 : vector<16xi1>, vector<16xf32>
        %broadcast_in_dim3A_356 = arith.constant 32 : i32
        %broadcast_in_dim3A_357 = vector.broadcast %broadcast_in_dim3A_356 : i32 to vector<16xi32>
        %select_n3A_358 = arith.select %lt3A_354, %broadcast_in_dim3A_357, %select_n3A_294 : vector<16xi1>, vector<16xi32>
        %get3A_359 = arith.index_cast %add3A_96 : i32 to index
        %get3A_360 = arith.constant 528 : index
        %get3A_361 = tpu.vector_load %arg4[%get3A_359, %get3A_360] {strides = array<i32>} : memref<64x1024xf32, #tpu.memory_space<vmem>>, vector<16xf32>,
        %lt3A_362 = arith.cmpf olt, %get3A_361, %select_n3A_299 : vector<16xf32>
        %select_n3A_363 = arith.select %lt3A_362, %get3A_361, %select_n3A_299 : vector<16xi1>, vector<16xf32>
        %broadcast_in_dim3A_364 = arith.constant 33 : i32
        %broadcast_in_dim3A_365 = vector.broadcast %broadcast_in_dim3A_364 : i32 to vector<16xi32>
        %select_n3A_366 = arith.select %lt3A_362, %broadcast_in_dim3A_365, %select_n3A_302 : vector<16xi1>, vector<16xi32>
        %get3A_367 = arith.index_cast %add3A_96 : i32 to index
        %get3A_368 = arith.constant 544 : index
        %get3A_369 = tpu.vector_load %arg4[%get3A_367, %get3A_368] {strides = array<i32>} : memref<64x1024xf32, #tpu.memory_space<vmem>>, vector<16xf32>,
        %lt3A_370 = arith.cmpf olt, %get3A_369, %select_n3A_307 : vector<16xf32>
        %select_n3A_371 = arith.select %lt3A_370, %get3A_369, %select_n3A_307 : vector<16xi1>, vector<16xf32>
        %broadcast_in_dim3A_372 = arith.constant 34 : i32
        %broadcast_in_dim3A_373 = vector.broadcast %broadcast_in_dim3A_372 : i32 to vector<16xi32>
        %select_n3A_374 = arith.select %lt3A_370, %broadcast_in_dim3A_373, %select_n3A_310 : vector<16xi1>, vector<16xi32>
        %get3A_375 = arith.index_cast %add3A_96 : i32 to index
        %get3A_376 = arith.constant 560 : index
        %get3A_377 = tpu.vector_load %arg4[%get3A_375, %get3A_376] {strides = array<i32>} : memref<64x1024xf32, #tpu.memory_space<vmem>>, vector<16xf32>,
        %lt3A_378 = arith.cmpf olt, %get3A_377, %select_n3A_315 : vector<16xf32>
        %select_n3A_379 = arith.select %lt3A_378, %get3A_377, %select_n3A_315 : vector<16xi1>, vector<16xf32>
        %broadcast_in_dim3A_380 = arith.constant 35 : i32
        %broadcast_in_dim3A_381 = vector.broadcast %broadcast_in_dim3A_380 : i32 to vector<16xi32>
        %select_n3A_382 = arith.select %lt3A_378, %broadcast_in_dim3A_381, %select_n3A_318 : vector<16xi1>, vector<16xi32>
        %get3A_383 = arith.index_cast %add3A_96 : i32 to index
        %get3A_384 = arith.constant 576 : index
        %get3A_385 = tpu.vector_load %arg4[%get3A_383, %get3A_384] {strides = array<i32>} : memref<64x1024xf32, #tpu.memory_space<vmem>>, vector<16xf32>,
        %lt3A_386 = arith.cmpf olt, %get3A_385, %select_n3A_323 : vector<16xf32>
        %select_n3A_387 = arith.select %lt3A_386, %get3A_385, %select_n3A_323 : vector<16xi1>, vector<16xf32>
        %broadcast_in_dim3A_388 = arith.constant 36 : i32
        %broadcast_in_dim3A_389 = vector.broadcast %broadcast_in_dim3A_388 : i32 to vector<16xi32>
        %select_n3A_390 = arith.select %lt3A_386, %broadcast_in_dim3A_389, %select_n3A_326 : vector<16xi1>, vector<16xi32>
        %get3A_391 = arith.index_cast %add3A_96 : i32 to index
        %get3A_392 = arith.constant 592 : index
        %get3A_393 = tpu.vector_load %arg4[%get3A_391, %get3A_392] {strides = array<i32>} : memref<64x1024xf32, #tpu.memory_space<vmem>>, vector<16xf32>,
        %lt3A_394 = arith.cmpf olt, %get3A_393, %select_n3A_331 : vector<16xf32>
        %select_n3A_395 = arith.select %lt3A_394, %get3A_393, %select_n3A_331 : vector<16xi1>, vector<16xf32>
        %broadcast_in_dim3A_396 = arith.constant 37 : i32
        %broadcast_in_dim3A_397 = vector.broadcast %broadcast_in_dim3A_396 : i32 to vector<16xi32>
        %select_n3A_398 = arith.select %lt3A_394, %broadcast_in_dim3A_397, %select_n3A_334 : vector<16xi1>, vector<16xi32>
        %get3A_399 = arith.index_cast %add3A_96 : i32 to index
        %get3A_400 = arith.constant 608 : index
        %get3A_401 = tpu.vector_load %arg4[%get3A_399, %get3A_400] {strides = array<i32>} : memref<64x1024xf32, #tpu.memory_space<vmem>>, vector<16xf32>,
        %lt3A_402 = arith.cmpf olt, %get3A_401, %select_n3A_339 : vector<16xf32>
        %select_n3A_403 = arith.select %lt3A_402, %get3A_401, %select_n3A_339 : vector<16xi1>, vector<16xf32>
        %broadcast_in_dim3A_404 = arith.constant 38 : i32
        %broadcast_in_dim3A_405 = vector.broadcast %broadcast_in_dim3A_404 : i32 to vector<16xi32>
        %select_n3A_406 = arith.select %lt3A_402, %broadcast_in_dim3A_405, %select_n3A_342 : vector<16xi1>, vector<16xi32>
        %get3A_407 = arith.index_cast %add3A_96 : i32 to index
        %get3A_408 = arith.constant 624 : index
        %get3A_409 = tpu.vector_load %arg4[%get3A_407, %get3A_408] {strides = array<i32>} : memref<64x1024xf32, #tpu.memory_space<vmem>>, vector<16xf32>,
        %lt3A_410 = arith.cmpf olt, %get3A_409, %select_n3A_347 : vector<16xf32>
        %select_n3A_411 = arith.select %lt3A_410, %get3A_409, %select_n3A_347 : vector<16xi1>, vector<16xf32>
        %broadcast_in_dim3A_412 = arith.constant 39 : i32
        %broadcast_in_dim3A_413 = vector.broadcast %broadcast_in_dim3A_412 : i32 to vector<16xi32>
        %select_n3A_414 = arith.select %lt3A_410, %broadcast_in_dim3A_413, %select_n3A_350 : vector<16xi1>, vector<16xi32>
        %get3A_415 = arith.index_cast %add3A_96 : i32 to index
        %get3A_416 = arith.constant 640 : index
        %get3A_417 = tpu.vector_load %arg4[%get3A_415, %get3A_416] {strides = array<i32>} : memref<64x1024xf32, #tpu.memory_space<vmem>>, vector<16xf32>,
        %lt3A_418 = arith.cmpf olt, %get3A_417, %select_n3A_355 : vector<16xf32>
        %select_n3A_419 = arith.select %lt3A_418, %get3A_417, %select_n3A_355 : vector<16xi1>, vector<16xf32>
        %broadcast_in_dim3A_420 = arith.constant 40 : i32
        %broadcast_in_dim3A_421 = vector.broadcast %broadcast_in_dim3A_420 : i32 to vector<16xi32>
        %select_n3A_422 = arith.select %lt3A_418, %broadcast_in_dim3A_421, %select_n3A_358 : vector<16xi1>, vector<16xi32>
        %get3A_423 = arith.index_cast %add3A_96 : i32 to index
        %get3A_424 = arith.constant 656 : index
        %get3A_425 = tpu.vector_load %arg4[%get3A_423, %get3A_424] {strides = array<i32>} : memref<64x1024xf32, #tpu.memory_space<vmem>>, vector<16xf32>,
        %lt3A_426 = arith.cmpf olt, %get3A_425, %select_n3A_363 : vector<16xf32>
        %select_n3A_427 = arith.select %lt3A_426, %get3A_425, %select_n3A_363 : vector<16xi1>, vector<16xf32>
        %broadcast_in_dim3A_428 = arith.constant 41 : i32
        %broadcast_in_dim3A_429 = vector.broadcast %broadcast_in_dim3A_428 : i32 to vector<16xi32>
        %select_n3A_430 = arith.select %lt3A_426, %broadcast_in_dim3A_429, %select_n3A_366 : vector<16xi1>, vector<16xi32>
        %get3A_431 = arith.index_cast %add3A_96 : i32 to index
        %get3A_432 = arith.constant 672 : index
        %get3A_433 = tpu.vector_load %arg4[%get3A_431, %get3A_432] {strides = array<i32>} : memref<64x1024xf32, #tpu.memory_space<vmem>>, vector<16xf32>,
        %lt3A_434 = arith.cmpf olt, %get3A_433, %select_n3A_371 : vector<16xf32>
        %select_n3A_435 = arith.select %lt3A_434, %get3A_433, %select_n3A_371 : vector<16xi1>, vector<16xf32>
        %broadcast_in_dim3A_436 = arith.constant 42 : i32
        %broadcast_in_dim3A_437 = vector.broadcast %broadcast_in_dim3A_436 : i32 to vector<16xi32>
        %select_n3A_438 = arith.select %lt3A_434, %broadcast_in_dim3A_437, %select_n3A_374 : vector<16xi1>, vector<16xi32>
        %get3A_439 = arith.index_cast %add3A_96 : i32 to index
        %get3A_440 = arith.constant 688 : index
        %get3A_441 = tpu.vector_load %arg4[%get3A_439, %get3A_440] {strides = array<i32>} : memref<64x1024xf32, #tpu.memory_space<vmem>>, vector<16xf32>,
        %lt3A_442 = arith.cmpf olt, %get3A_441, %select_n3A_379 : vector<16xf32>
        %select_n3A_443 = arith.select %lt3A_442, %get3A_441, %select_n3A_379 : vector<16xi1>, vector<16xf32>
        %broadcast_in_dim3A_444 = arith.constant 43 : i32
        %broadcast_in_dim3A_445 = vector.broadcast %broadcast_in_dim3A_444 : i32 to vector<16xi32>
        %select_n3A_446 = arith.select %lt3A_442, %broadcast_in_dim3A_445, %select_n3A_382 : vector<16xi1>, vector<16xi32>
        %get3A_447 = arith.index_cast %add3A_96 : i32 to index
        %get3A_448 = arith.constant 704 : index
        %get3A_449 = tpu.vector_load %arg4[%get3A_447, %get3A_448] {strides = array<i32>} : memref<64x1024xf32, #tpu.memory_space<vmem>>, vector<16xf32>,
        %lt3A_450 = arith.cmpf olt, %get3A_449, %select_n3A_387 : vector<16xf32>
        %select_n3A_451 = arith.select %lt3A_450, %get3A_449, %select_n3A_387 : vector<16xi1>, vector<16xf32>
        %broadcast_in_dim3A_452 = arith.constant 44 : i32
        %broadcast_in_dim3A_453 = vector.broadcast %broadcast_in_dim3A_452 : i32 to vector<16xi32>
        %select_n3A_454 = arith.select %lt3A_450, %broadcast_in_dim3A_453, %select_n3A_390 : vector<16xi1>, vector<16xi32>
        %get3A_455 = arith.index_cast %add3A_96 : i32 to index
        %get3A_456 = arith.constant 720 : index
        %get3A_457 = tpu.vector_load %arg4[%get3A_455, %get3A_456] {strides = array<i32>} : memref<64x1024xf32, #tpu.memory_space<vmem>>, vector<16xf32>,
        %lt3A_458 = arith.cmpf olt, %get3A_457, %select_n3A_395 : vector<16xf32>
        %select_n3A_459 = arith.select %lt3A_458, %get3A_457, %select_n3A_395 : vector<16xi1>, vector<16xf32>
        %broadcast_in_dim3A_460 = arith.constant 45 : i32
        %broadcast_in_dim3A_461 = vector.broadcast %broadcast_in_dim3A_460 : i32 to vector<16xi32>
        %select_n3A_462 = arith.select %lt3A_458, %broadcast_in_dim3A_461, %select_n3A_398 : vector<16xi1>, vector<16xi32>
        %get3A_463 = arith.index_cast %add3A_96 : i32 to index
        %get3A_464 = arith.constant 736 : index
        %get3A_465 = tpu.vector_load %arg4[%get3A_463, %get3A_464] {strides = array<i32>} : memref<64x1024xf32, #tpu.memory_space<vmem>>, vector<16xf32>,
        %lt3A_466 = arith.cmpf olt, %get3A_465, %select_n3A_403 : vector<16xf32>
        %select_n3A_467 = arith.select %lt3A_466, %get3A_465, %select_n3A_403 : vector<16xi1>, vector<16xf32>
        %broadcast_in_dim3A_468 = arith.constant 46 : i32
        %broadcast_in_dim3A_469 = vector.broadcast %broadcast_in_dim3A_468 : i32 to vector<16xi32>
        %select_n3A_470 = arith.select %lt3A_466, %broadcast_in_dim3A_469, %select_n3A_406 : vector<16xi1>, vector<16xi32>
        %get3A_471 = arith.index_cast %add3A_96 : i32 to index
        %get3A_472 = arith.constant 752 : index
        %get3A_473 = tpu.vector_load %arg4[%get3A_471, %get3A_472] {strides = array<i32>} : memref<64x1024xf32, #tpu.memory_space<vmem>>, vector<16xf32>,
        %lt3A_474 = arith.cmpf olt, %get3A_473, %select_n3A_411 : vector<16xf32>
        %select_n3A_475 = arith.select %lt3A_474, %get3A_473, %select_n3A_411 : vector<16xi1>, vector<16xf32>
        %broadcast_in_dim3A_476 = arith.constant 47 : i32
        %broadcast_in_dim3A_477 = vector.broadcast %broadcast_in_dim3A_476 : i32 to vector<16xi32>
        %select_n3A_478 = arith.select %lt3A_474, %broadcast_in_dim3A_477, %select_n3A_414 : vector<16xi1>, vector<16xi32>
        %get3A_479 = arith.index_cast %add3A_96 : i32 to index
        %get3A_480 = arith.constant 768 : index
        %get3A_481 = tpu.vector_load %arg4[%get3A_479, %get3A_480] {strides = array<i32>} : memref<64x1024xf32, #tpu.memory_space<vmem>>, vector<16xf32>,
        %lt3A_482 = arith.cmpf olt, %get3A_481, %select_n3A_419 : vector<16xf32>
        %select_n3A_483 = arith.select %lt3A_482, %get3A_481, %select_n3A_419 : vector<16xi1>, vector<16xf32>
        %broadcast_in_dim3A_484 = arith.constant 48 : i32
        %broadcast_in_dim3A_485 = vector.broadcast %broadcast_in_dim3A_484 : i32 to vector<16xi32>
        %select_n3A_486 = arith.select %lt3A_482, %broadcast_in_dim3A_485, %select_n3A_422 : vector<16xi1>, vector<16xi32>
        %get3A_487 = arith.index_cast %add3A_96 : i32 to index
        %get3A_488 = arith.constant 784 : index
        %get3A_489 = tpu.vector_load %arg4[%get3A_487, %get3A_488] {strides = array<i32>} : memref<64x1024xf32, #tpu.memory_space<vmem>>, vector<16xf32>,
        %lt3A_490 = arith.cmpf olt, %get3A_489, %select_n3A_427 : vector<16xf32>
        %select_n3A_491 = arith.select %lt3A_490, %get3A_489, %select_n3A_427 : vector<16xi1>, vector<16xf32>
        %broadcast_in_dim3A_492 = arith.constant 49 : i32
        %broadcast_in_dim3A_493 = vector.broadcast %broadcast_in_dim3A_492 : i32 to vector<16xi32>
        %select_n3A_494 = arith.select %lt3A_490, %broadcast_in_dim3A_493, %select_n3A_430 : vector<16xi1>, vector<16xi32>
        %get3A_495 = arith.index_cast %add3A_96 : i32 to index
        %get3A_496 = arith.constant 800 : index
        %get3A_497 = tpu.vector_load %arg4[%get3A_495, %get3A_496] {strides = array<i32>} : memref<64x1024xf32, #tpu.memory_space<vmem>>, vector<16xf32>,
        %lt3A_498 = arith.cmpf olt, %get3A_497, %select_n3A_435 : vector<16xf32>
        %select_n3A_499 = arith.select %lt3A_498, %get3A_497, %select_n3A_435 : vector<16xi1>, vector<16xf32>
        %broadcast_in_dim3A_500 = arith.constant 50 : i32
        %broadcast_in_dim3A_501 = vector.broadcast %broadcast_in_dim3A_500 : i32 to vector<16xi32>
        %select_n3A_502 = arith.select %lt3A_498, %broadcast_in_dim3A_501, %select_n3A_438 : vector<16xi1>, vector<16xi32>
        %get3A_503 = arith.index_cast %add3A_96 : i32 to index
        %get3A_504 = arith.constant 816 : index
        %get3A_505 = tpu.vector_load %arg4[%get3A_503, %get3A_504] {strides = array<i32>} : memref<64x1024xf32, #tpu.memory_space<vmem>>, vector<16xf32>,
        %lt3A_506 = arith.cmpf olt, %get3A_505, %select_n3A_443 : vector<16xf32>
        %select_n3A_507 = arith.select %lt3A_506, %get3A_505, %select_n3A_443 : vector<16xi1>, vector<16xf32>
        %broadcast_in_dim3A_508 = arith.constant 51 : i32
        %broadcast_in_dim3A_509 = vector.broadcast %broadcast_in_dim3A_508 : i32 to vector<16xi32>
        %select_n3A_510 = arith.select %lt3A_506, %broadcast_in_dim3A_509, %select_n3A_446 : vector<16xi1>, vector<16xi32>
        %get3A_511 = arith.index_cast %add3A_96 : i32 to index
        %get3A_512 = arith.constant 832 : index
        %get3A_513 = tpu.vector_load %arg4[%get3A_511, %get3A_512] {strides = array<i32>} : memref<64x1024xf32, #tpu.memory_space<vmem>>, vector<16xf32>,
        %lt3A_514 = arith.cmpf olt, %get3A_513, %select_n3A_451 : vector<16xf32>
        %select_n3A_515 = arith.select %lt3A_514, %get3A_513, %select_n3A_451 : vector<16xi1>, vector<16xf32>
        %broadcast_in_dim3A_516 = arith.constant 52 : i32
        %broadcast_in_dim3A_517 = vector.broadcast %broadcast_in_dim3A_516 : i32 to vector<16xi32>
        %select_n3A_518 = arith.select %lt3A_514, %broadcast_in_dim3A_517, %select_n3A_454 : vector<16xi1>, vector<16xi32>
        %get3A_519 = arith.index_cast %add3A_96 : i32 to index
        %get3A_520 = arith.constant 848 : index
        %get3A_521 = tpu.vector_load %arg4[%get3A_519, %get3A_520] {strides = array<i32>} : memref<64x1024xf32, #tpu.memory_space<vmem>>, vector<16xf32>,
        %lt3A_522 = arith.cmpf olt, %get3A_521, %select_n3A_459 : vector<16xf32>
        %select_n3A_523 = arith.select %lt3A_522, %get3A_521, %select_n3A_459 : vector<16xi1>, vector<16xf32>
        %broadcast_in_dim3A_524 = arith.constant 53 : i32
        %broadcast_in_dim3A_525 = vector.broadcast %broadcast_in_dim3A_524 : i32 to vector<16xi32>
        %select_n3A_526 = arith.select %lt3A_522, %broadcast_in_dim3A_525, %select_n3A_462 : vector<16xi1>, vector<16xi32>
        %get3A_527 = arith.index_cast %add3A_96 : i32 to index
        %get3A_528 = arith.constant 864 : index
        %get3A_529 = tpu.vector_load %arg4[%get3A_527, %get3A_528] {strides = array<i32>} : memref<64x1024xf32, #tpu.memory_space<vmem>>, vector<16xf32>,
        %lt3A_530 = arith.cmpf olt, %get3A_529, %select_n3A_467 : vector<16xf32>
        %select_n3A_531 = arith.select %lt3A_530, %get3A_529, %select_n3A_467 : vector<16xi1>, vector<16xf32>
        %broadcast_in_dim3A_532 = arith.constant 54 : i32
        %broadcast_in_dim3A_533 = vector.broadcast %broadcast_in_dim3A_532 : i32 to vector<16xi32>
        %select_n3A_534 = arith.select %lt3A_530, %broadcast_in_dim3A_533, %select_n3A_470 : vector<16xi1>, vector<16xi32>
        %get3A_535 = arith.index_cast %add3A_96 : i32 to index
        %get3A_536 = arith.constant 880 : index
        %get3A_537 = tpu.vector_load %arg4[%get3A_535, %get3A_536] {strides = array<i32>} : memref<64x1024xf32, #tpu.memory_space<vmem>>, vector<16xf32>,
        %lt3A_538 = arith.cmpf olt, %get3A_537, %select_n3A_475 : vector<16xf32>
        %select_n3A_539 = arith.select %lt3A_538, %get3A_537, %select_n3A_475 : vector<16xi1>, vector<16xf32>
        %broadcast_in_dim3A_540 = arith.constant 55 : i32
        %broadcast_in_dim3A_541 = vector.broadcast %broadcast_in_dim3A_540 : i32 to vector<16xi32>
        %select_n3A_542 = arith.select %lt3A_538, %broadcast_in_dim3A_541, %select_n3A_478 : vector<16xi1>, vector<16xi32>
        %get3A_543 = arith.index_cast %add3A_96 : i32 to index
        %get3A_544 = arith.constant 896 : index
        %get3A_545 = tpu.vector_load %arg4[%get3A_543, %get3A_544] {strides = array<i32>} : memref<64x1024xf32, #tpu.memory_space<vmem>>, vector<16xf32>,
        %lt3A_546 = arith.cmpf olt, %get3A_545, %select_n3A_483 : vector<16xf32>
        %select_n3A_547 = arith.select %lt3A_546, %get3A_545, %select_n3A_483 : vector<16xi1>, vector<16xf32>
        %broadcast_in_dim3A_548 = arith.constant 56 : i32
        %broadcast_in_dim3A_549 = vector.broadcast %broadcast_in_dim3A_548 : i32 to vector<16xi32>
        %select_n3A_550 = arith.select %lt3A_546, %broadcast_in_dim3A_549, %select_n3A_486 : vector<16xi1>, vector<16xi32>
        %get3A_551 = arith.index_cast %add3A_96 : i32 to index
        %get3A_552 = arith.constant 912 : index
        %get3A_553 = tpu.vector_load %arg4[%get3A_551, %get3A_552] {strides = array<i32>} : memref<64x1024xf32, #tpu.memory_space<vmem>>, vector<16xf32>,
        %lt3A_554 = arith.cmpf olt, %get3A_553, %select_n3A_491 : vector<16xf32>
        %select_n3A_555 = arith.select %lt3A_554, %get3A_553, %select_n3A_491 : vector<16xi1>, vector<16xf32>
        %broadcast_in_dim3A_556 = arith.constant 57 : i32
        %broadcast_in_dim3A_557 = vector.broadcast %broadcast_in_dim3A_556 : i32 to vector<16xi32>
        %select_n3A_558 = arith.select %lt3A_554, %broadcast_in_dim3A_557, %select_n3A_494 : vector<16xi1>, vector<16xi32>
        %get3A_559 = arith.index_cast %add3A_96 : i32 to index
        %get3A_560 = arith.constant 928 : index
        %get3A_561 = tpu.vector_load %arg4[%get3A_559, %get3A_560] {strides = array<i32>} : memref<64x1024xf32, #tpu.memory_space<vmem>>, vector<16xf32>,
        %lt3A_562 = arith.cmpf olt, %get3A_561, %select_n3A_499 : vector<16xf32>
        %select_n3A_563 = arith.select %lt3A_562, %get3A_561, %select_n3A_499 : vector<16xi1>, vector<16xf32>
        %broadcast_in_dim3A_564 = arith.constant 58 : i32
        %broadcast_in_dim3A_565 = vector.broadcast %broadcast_in_dim3A_564 : i32 to vector<16xi32>
        %select_n3A_566 = arith.select %lt3A_562, %broadcast_in_dim3A_565, %select_n3A_502 : vector<16xi1>, vector<16xi32>
        %get3A_567 = arith.index_cast %add3A_96 : i32 to index
        %get3A_568 = arith.constant 944 : index
        %get3A_569 = tpu.vector_load %arg4[%get3A_567, %get3A_568] {strides = array<i32>} : memref<64x1024xf32, #tpu.memory_space<vmem>>, vector<16xf32>,
        %lt3A_570 = arith.cmpf olt, %get3A_569, %select_n3A_507 : vector<16xf32>
        %select_n3A_571 = arith.select %lt3A_570, %get3A_569, %select_n3A_507 : vector<16xi1>, vector<16xf32>
        %broadcast_in_dim3A_572 = arith.constant 59 : i32
        %broadcast_in_dim3A_573 = vector.broadcast %broadcast_in_dim3A_572 : i32 to vector<16xi32>
        %select_n3A_574 = arith.select %lt3A_570, %broadcast_in_dim3A_573, %select_n3A_510 : vector<16xi1>, vector<16xi32>
        %get3A_575 = arith.index_cast %add3A_96 : i32 to index
        %get3A_576 = arith.constant 960 : index
        %get3A_577 = tpu.vector_load %arg4[%get3A_575, %get3A_576] {strides = array<i32>} : memref<64x1024xf32, #tpu.memory_space<vmem>>, vector<16xf32>,
        %lt3A_578 = arith.cmpf olt, %get3A_577, %select_n3A_515 : vector<16xf32>
        %select_n3A_579 = arith.select %lt3A_578, %get3A_577, %select_n3A_515 : vector<16xi1>, vector<16xf32>
        %broadcast_in_dim3A_580 = arith.constant 60 : i32
        %broadcast_in_dim3A_581 = vector.broadcast %broadcast_in_dim3A_580 : i32 to vector<16xi32>
        %select_n3A_582 = arith.select %lt3A_578, %broadcast_in_dim3A_581, %select_n3A_518 : vector<16xi1>, vector<16xi32>
        %get3A_583 = arith.index_cast %add3A_96 : i32 to index
        %get3A_584 = arith.constant 976 : index
        %get3A_585 = tpu.vector_load %arg4[%get3A_583, %get3A_584] {strides = array<i32>} : memref<64x1024xf32, #tpu.memory_space<vmem>>, vector<16xf32>,
        %lt3A_586 = arith.cmpf olt, %get3A_585, %select_n3A_523 : vector<16xf32>
        %select_n3A_587 = arith.select %lt3A_586, %get3A_585, %select_n3A_523 : vector<16xi1>, vector<16xf32>
        %broadcast_in_dim3A_588 = arith.constant 61 : i32
        %broadcast_in_dim3A_589 = vector.broadcast %broadcast_in_dim3A_588 : i32 to vector<16xi32>
        %select_n3A_590 = arith.select %lt3A_586, %broadcast_in_dim3A_589, %select_n3A_526 : vector<16xi1>, vector<16xi32>
        %get3A_591 = arith.index_cast %add3A_96 : i32 to index
        %get3A_592 = arith.constant 992 : index
        %get3A_593 = tpu.vector_load %arg4[%get3A_591, %get3A_592] {strides = array<i32>} : memref<64x1024xf32, #tpu.memory_space<vmem>>, vector<16xf32>,
        %lt3A_594 = arith.cmpf olt, %get3A_593, %select_n3A_531 : vector<16xf32>
        %select_n3A_595 = arith.select %lt3A_594, %get3A_593, %select_n3A_531 : vector<16xi1>, vector<16xf32>
        %broadcast_in_dim3A_596 = arith.constant 62 : i32
        %broadcast_in_dim3A_597 = vector.broadcast %broadcast_in_dim3A_596 : i32 to vector<16xi32>
        %select_n3A_598 = arith.select %lt3A_594, %broadcast_in_dim3A_597, %select_n3A_534 : vector<16xi1>, vector<16xi32>
        %get3A_599 = arith.index_cast %add3A_96 : i32 to index
        %get3A_600 = arith.constant 1008 : index
        %get3A_601 = tpu.vector_load %arg4[%get3A_599, %get3A_600] {strides = array<i32>} : memref<64x1024xf32, #tpu.memory_space<vmem>>, vector<16xf32>,
        %lt3A_602 = arith.cmpf olt, %get3A_601, %select_n3A_539 : vector<16xf32>
        %select_n3A_603 = arith.select %lt3A_602, %get3A_601, %select_n3A_539 : vector<16xi1>, vector<16xf32>
        %broadcast_in_dim3A_604 = arith.constant 63 : i32
        %broadcast_in_dim3A_605 = vector.broadcast %broadcast_in_dim3A_604 : i32 to vector<16xi32>
        %select_n3A_606 = arith.select %lt3A_602, %broadcast_in_dim3A_605, %select_n3A_542 : vector<16xi1>, vector<16xi32>
        %lt3A_607 = arith.cmpf olt, %select_n3A_555, %select_n3A_547 : vector<16xf32>
        %eq3A = arith.cmpf oeq, %select_n3A_555, %select_n3A_547 : vector<16xf32>
        %lt3A_608 = arith.cmpi slt, %select_n3A_558, %select_n3A_550 : vector<16xi32>
        %and3A = arith.andi %eq3A, %lt3A_608 : vector<16xi1>
        %or3A = arith.ori %lt3A_607, %and3A : vector<16xi1>
        %select_n3A_609 = arith.select %or3A, %select_n3A_555, %select_n3A_547 : vector<16xi1>, vector<16xf32>
        %select_n3A_610 = arith.select %or3A, %select_n3A_558, %select_n3A_550 : vector<16xi1>, vector<16xi32>
        %lt3A_611 = arith.cmpf olt, %select_n3A_571, %select_n3A_563 : vector<16xf32>
        %eq3A_612 = arith.cmpf oeq, %select_n3A_571, %select_n3A_563 : vector<16xf32>
        %lt3A_613 = arith.cmpi slt, %select_n3A_574, %select_n3A_566 : vector<16xi32>
        %and3A_614 = arith.andi %eq3A_612, %lt3A_613 : vector<16xi1>
        %or3A_615 = arith.ori %lt3A_611, %and3A_614 : vector<16xi1>
        %select_n3A_616 = arith.select %or3A_615, %select_n3A_571, %select_n3A_563 : vector<16xi1>, vector<16xf32>
        %select_n3A_617 = arith.select %or3A_615, %select_n3A_574, %select_n3A_566 : vector<16xi1>, vector<16xi32>
        %lt3A_618 = arith.cmpf olt, %select_n3A_587, %select_n3A_579 : vector<16xf32>
        %eq3A_619 = arith.cmpf oeq, %select_n3A_587, %select_n3A_579 : vector<16xf32>
        %lt3A_620 = arith.cmpi slt, %select_n3A_590, %select_n3A_582 : vector<16xi32>
        %and3A_621 = arith.andi %eq3A_619, %lt3A_620 : vector<16xi1>
        %or3A_622 = arith.ori %lt3A_618, %and3A_621 : vector<16xi1>
        %select_n3A_623 = arith.select %or3A_622, %select_n3A_587, %select_n3A_579 : vector<16xi1>, vector<16xf32>
        %select_n3A_624 = arith.select %or3A_622, %select_n3A_590, %select_n3A_582 : vector<16xi1>, vector<16xi32>
        %lt3A_625 = arith.cmpf olt, %select_n3A_603, %select_n3A_595 : vector<16xf32>
        %eq3A_626 = arith.cmpf oeq, %select_n3A_603, %select_n3A_595 : vector<16xf32>
        %lt3A_627 = arith.cmpi slt, %select_n3A_606, %select_n3A_598 : vector<16xi32>
        %and3A_628 = arith.andi %eq3A_626, %lt3A_627 : vector<16xi1>
        %or3A_629 = arith.ori %lt3A_625, %and3A_628 : vector<16xi1>
        %select_n3A_630 = arith.select %or3A_629, %select_n3A_603, %select_n3A_595 : vector<16xi1>, vector<16xf32>
        %select_n3A_631 = arith.select %or3A_629, %select_n3A_606, %select_n3A_598 : vector<16xi1>, vector<16xi32>
        %lt3A_632 = arith.cmpf olt, %select_n3A_616, %select_n3A_609 : vector<16xf32>
        %eq3A_633 = arith.cmpf oeq, %select_n3A_616, %select_n3A_609 : vector<16xf32>
        %lt3A_634 = arith.cmpi slt, %select_n3A_617, %select_n3A_610 : vector<16xi32>
        %and3A_635 = arith.andi %eq3A_633, %lt3A_634 : vector<16xi1>
        %or3A_636 = arith.ori %lt3A_632, %and3A_635 : vector<16xi1>
        %select_n3A_637 = arith.select %or3A_636, %select_n3A_616, %select_n3A_609 : vector<16xi1>, vector<16xf32>
        %select_n3A_638 = arith.select %or3A_636, %select_n3A_617, %select_n3A_610 : vector<16xi1>, vector<16xi32>
        %lt3A_639 = arith.cmpf olt, %select_n3A_630, %select_n3A_623 : vector<16xf32>
        %eq3A_640 = arith.cmpf oeq, %select_n3A_630, %select_n3A_623 : vector<16xf32>
        %lt3A_641 = arith.cmpi slt, %select_n3A_631, %select_n3A_624 : vector<16xi32>
        %and3A_642 = arith.andi %eq3A_640, %lt3A_641 : vector<16xi1>
        %or3A_643 = arith.ori %lt3A_639, %and3A_642 : vector<16xi1>
        %select_n3A_644 = arith.select %or3A_643, %select_n3A_630, %select_n3A_623 : vector<16xi1>, vector<16xf32>
        %select_n3A_645 = arith.select %or3A_643, %select_n3A_631, %select_n3A_624 : vector<16xi1>, vector<16xi32>
        %lt3A_646 = arith.cmpf olt, %select_n3A_644, %select_n3A_637 : vector<16xf32>
        %eq3A_647 = arith.cmpf oeq, %select_n3A_644, %select_n3A_637 : vector<16xf32>
        %lt3A_648 = arith.cmpi slt, %select_n3A_645, %select_n3A_638 : vector<16xi32>
        %and3A_649 = arith.andi %eq3A_647, %lt3A_648 : vector<16xi1>
        %or3A_650 = arith.ori %lt3A_646, %and3A_649 : vector<16xi1>
        %select_n3A_651 = arith.select %or3A_650, %select_n3A_644, %select_n3A_637 : vector<16xi1>, vector<16xf32>
        %select_n3A_652 = arith.select %or3A_650, %select_n3A_645, %select_n3A_638 : vector<16xi1>, vector<16xi32>
        %mul3A_653 = arith.constant 16 : i32
        %mul3A_654 = vector.broadcast %mul3A_653 : i32 to vector<16xi32>
        %mul3A_655 = arith.muli %select_n3A_652, %mul3A_654 : vector<16xi32>
        %add3A_656 = arith.addi %mul3A_655, %iota3A : vector<16xi32>
        %reduce_min3A = arith.constant true
        %reduce_min3A_657 = vector.broadcast %reduce_min3A : i1 to vector<16xi1>
        %reduce_min3A_658 = tpu.scan <min>, %select_n3A_651 masked %reduce_min3A_657 : vector<16xf32>, vector<16xi1> -> vector<16xf32>
        %reduce_min3A_659 = vector.extract %reduce_min3A_658[15] : f32 from vector<16xf32>
        %eq3A_660 = vector.broadcast %reduce_min3A_659 : f32 to vector<16xf32>
        %eq3A_661 = arith.cmpf oeq, %select_n3A_651, %eq3A_660 : vector<16xf32>
        %jit3A = arith.constant 1024 : i32
        %broadcast_in_dim3A_662 = vector.broadcast %jit3A : i32 to vector<16xi32>
        %select_n3A_663 = arith.select %eq3A_661, %add3A_656, %broadcast_in_dim3A_662 : vector<16xi1>, vector<16xi32>
        %reduce_min3A_664 = arith.constant true
        %reduce_min3A_665 = vector.broadcast %reduce_min3A_664 : i1 to vector<16xi1>
        %reduce_min3A_666 = arith.constant -2147483648 : i32
        %reduce_min3A_667 = vector.broadcast %reduce_min3A_666 : i32 to vector<16xi32>
        %reduce_min3A_668 = arith.xori %select_n3A_663, %reduce_min3A_667 : vector<16xi32>
        %reduce_min3A_669 = tpu.scan <min>, %reduce_min3A_668 masked %reduce_min3A_665 : vector<16xi32>, vector<16xi1> -> vector<16xi32>
        %reduce_min3A_670 = arith.xori %reduce_min3A_669, %reduce_min3A_667 : vector<16xi32>
        %reduce_min3A_671 = vector.extract %reduce_min3A_670[15] : i32 from vector<16xi32>
        %and3A_672 = arith.constant 15 : i32
        %and3A_673 = arith.andi %scan3A_93, %and3A_672 : i32
        %eq3A_674 = vector.broadcast %and3A_673 : i32 to vector<16xi32>
        %eq3A_675 = arith.cmpi eq, %iota3A, %eq3A_674 : vector<16xi32>
        %broadcast_in_dim3A_676 = vector.broadcast %reduce_min3A_671 : i32 to vector<16xi32>
        %select_n3A_677 = arith.select %eq3A_675, %broadcast_in_dim3A_676, %scan3A_94 : vector<16xi1>, vector<16xi32>
        %and3A_678 = arith.constant 15 : i32
        %and3A_679 = arith.andi %scan3A_93, %and3A_678 : i32
        %eq3A_680 = arith.constant 15 : i32
        %eq3A_681 = arith.cmpi eq, %and3A_679, %eq3A_680 : i32
        %convert_element_type3A_682 = arith.extui %eq3A_681 : i1 to i32
        %cond3A_683 = arith.constant 0 : i32
        %cond3A_684 = arith.cmpi ne, %convert_element_type3A_682, %cond3A_683 : i32
        scf.if %cond3A_684 {
          %mul3A_685 = arith.constant 32 : i32
          %mul3A_686 = arith.muli %mul3A_40, %mul3A_685 : i32
          %and3A_687 = arith.constant -16 : i32
          %and3A_688 = arith.andi %scan3A_93, %and3A_687 : i32
          %add3A_689 = arith.addi %mul3A_686, %and3A_688 : i32
          %swap3A = arith.index_cast %add3A_689 : i32 to index
          %swap3A_690 = tpu.vector_load %arg5[%swap3A] {strides = array<i32>} : memref<384xi32, #tpu.memory_space<vmem>>, vector<16xi32>,
          tpu.vector_store %arg5[%swap3A], %select_n3A_677 {strides = array<i32>} : memref<384xi32, #tpu.memory_space<vmem>>, vector<16xi32>,
        } else {
        }
        scf.yield %select_n3A_677 : vector<16xi32>
      }
      %scan3A_58 = arith.constant 32 : i32
      %add3A_59 = arith.constant 2 : i32
      %add3A_60 = arith.addi %mul3A_40, %add3A_59 : i32
      %lt3A = arith.constant 12 : i32
      %lt3A_61 = arith.cmpi slt, %add3A_60, %lt3A : i32
      %convert_element_type3A = arith.extui %lt3A_61 : i1 to i32
      %cond3A = arith.constant 0 : i32
      %cond3A_62 = arith.cmpi ne, %convert_element_type3A, %cond3A : i32
      scf.if %cond3A_62 {
        %add3A_93 = arith.constant 2 : i32
        %add3A_94 = arith.addi %mul3A_40, %add3A_93 : i32
        %mul3A_95 = arith.constant 32 : i32
        %mul3A_96 = arith.muli %add3A_94, %mul3A_95 : i32
        %add3A_97 = arith.addi %add3A_4, %mul3A_96 : i32
        %dma_start3A_98 = arith.constant 0 : i32
        %dma_start3A_99 = arith.constant 0 : i32
        %dma_start3A_100 = tpu.memref_slice %arg4[%dma_start3A_98, %dma_start3A_99] : memref<64x1024xf32, #tpu.memory_space<vmem>> -> memref<32x1024xf32, #tpu.memory_space<vmem>>
        %dma_start3A_101 = arith.constant 0 : i32
        %dma_start3A_102 = tpu.memref_slice %arg2[%add3A_97, %dma_start3A_101] : memref<32768x1024xf32, #tpu.memory_space<hbm>> -> memref<32x1024xf32, #tpu.memory_space<hbm>>
        %dma_start3A_103 = arith.constant 0 : i32
        %dma_start3A_104 = arith.constant 0 : i32
        %dma_start3A_105 = tpu.memref_slice %arg4[%dma_start3A_103, %dma_start3A_104] : memref<64x1024xf32, #tpu.memory_space<vmem>> -> memref<32x1024xf32, #tpu.memory_space<vmem>>
        %dma_start3A_106 = arith.constant 0 : i32
        %dma_start3A_107 = tpu.memref_slice %arg2[%add3A_97, %dma_start3A_106] : memref<32768x1024xf32, #tpu.memory_space<hbm>> -> memref<32x1024xf32, #tpu.memory_space<hbm>>
        tpu.enqueue_dma source(%dma_start3A_107 : memref<32x1024xf32, #tpu.memory_space<hbm>>) target(%dma_start3A_105 : memref<32x1024xf32, #tpu.memory_space<vmem>>) target_semaphore(%arg6 : memref<!tpu.dma_semaphore, #tpu.memory_space<semaphore_mem>>)
      } else {
      }
      %mul3A_63 = arith.constant 2 : i32
      %mul3A_64 = arith.muli %mul3A_63, %scan3A_38 : i32
      %add3A_65 = arith.constant 1 : i32
      %add3A_66 = arith.addi %mul3A_64, %add3A_65 : i32
      %mul3A_67 = arith.constant 32 : i32
      %mul3A_68 = arith.muli %add3A_66, %mul3A_67 : i32
      %add3A_69 = arith.addi %add3A_4, %mul3A_68 : i32
      %dma_wait3A_70 = arith.constant 32 : i32
      %dma_wait3A_71 = arith.constant 0 : i32
      %dma_wait3A_72 = tpu.memref_slice %arg4[%dma_wait3A_70, %dma_wait3A_71] : memref<64x1024xf32, #tpu.memory_space<vmem>> -> memref<32x1024xf32, #tpu.memory_space<vmem>>
      %dma_wait3A_73 = arith.constant 0 : i32
      %dma_wait3A_74 = tpu.memref_slice %arg2[%add3A_69, %dma_wait3A_73] : memref<32768x1024xf32, #tpu.memory_space<hbm>> -> memref<32x1024xf32, #tpu.memory_space<hbm>>
      %dma_wait3A_75 = arith.constant 32 : i32
      %dma_wait3A_76 = arith.constant 0 : i32
      %dma_wait3A_77 = tpu.memref_slice %arg4[%dma_wait3A_75, %dma_wait3A_76] : memref<64x1024xf32, #tpu.memory_space<vmem>> -> memref<32x1024xf32, #tpu.memory_space<vmem>>
      %dma_wait3A_78 = arith.constant 0 : i32
      %dma_wait3A_79 = tpu.memref_slice %arg2[%add3A_69, %dma_wait3A_78] : memref<32768x1024xf32, #tpu.memory_space<hbm>> -> memref<32x1024xf32, #tpu.memory_space<hbm>>
      tpu.wait_dma2 semaphore(%arg7 : memref<!tpu.dma_semaphore, #tpu.memory_space<semaphore_mem>>) src(%dma_wait3A_79 : memref<32x1024xf32, #tpu.memory_space<hbm>>) dst(%dma_wait3A_77 : memref<32x1024xf32, #tpu.memory_space<vmem>>)
      %scan3A_80 = arith.constant 0 : i32
      %scan3A_81 = arith.constant 32 : i32
      %scan3A_82 = arith.addi %scan3A_80, %scan3A_81 : i32
      %scan3A_83 = arith.constant 1 : i32
      %scan3A_84 = scf.for %scan3A_93 = %scan3A_80 to %scan3A_82 step %scan3A_83 iter_args(%scan3A_94 = %broadcast_in_dim3A_7) -> (vector<16xi32>)  : i32 {
        %add3A_95 = arith.constant 32 : i32
        %add3A_96 = arith.addi %add3A_95, %scan3A_93 : i32
        %get3A = arith.index_cast %add3A_96 : i32 to index
        %get3A_97 = arith.constant 0 : index
        %get3A_98 = tpu.vector_load %arg4[%get3A, %get3A_97] {strides = array<i32>} : memref<64x1024xf32, #tpu.memory_space<vmem>>, vector<16xf32>,
        %lt3A_99 = arith.cmpf olt, %get3A_98, %broadcast_in_dim3A_5 : vector<16xf32>
        %select_n3A = arith.select %lt3A_99, %get3A_98, %broadcast_in_dim3A_5 : vector<16xi1>, vector<16xf32>
        %broadcast_in_dim3A_100 = arith.constant 0 : i32
        %broadcast_in_dim3A_101 = vector.broadcast %broadcast_in_dim3A_100 : i32 to vector<16xi32>
        %select_n3A_102 = arith.select %lt3A_99, %broadcast_in_dim3A_101, %broadcast_in_dim3A_7 : vector<16xi1>, vector<16xi32>
        %get3A_103 = arith.index_cast %add3A_96 : i32 to index
        %get3A_104 = arith.constant 16 : index
        %get3A_105 = tpu.vector_load %arg4[%get3A_103, %get3A_104] {strides = array<i32>} : memref<64x1024xf32, #tpu.memory_space<vmem>>, vector<16xf32>,
        %lt3A_106 = arith.cmpf olt, %get3A_105, %broadcast_in_dim3A_5 : vector<16xf32>
        %select_n3A_107 = arith.select %lt3A_106, %get3A_105, %broadcast_in_dim3A_5 : vector<16xi1>, vector<16xf32>
        %broadcast_in_dim3A_108 = arith.constant 1 : i32
        %broadcast_in_dim3A_109 = vector.broadcast %broadcast_in_dim3A_108 : i32 to vector<16xi32>
        %select_n3A_110 = arith.select %lt3A_106, %broadcast_in_dim3A_109, %broadcast_in_dim3A_7 : vector<16xi1>, vector<16xi32>
        %get3A_111 = arith.index_cast %add3A_96 : i32 to index
        %get3A_112 = arith.constant 32 : index
        %get3A_113 = tpu.vector_load %arg4[%get3A_111, %get3A_112] {strides = array<i32>} : memref<64x1024xf32, #tpu.memory_space<vmem>>, vector<16xf32>,
        %lt3A_114 = arith.cmpf olt, %get3A_113, %broadcast_in_dim3A_5 : vector<16xf32>
        %select_n3A_115 = arith.select %lt3A_114, %get3A_113, %broadcast_in_dim3A_5 : vector<16xi1>, vector<16xf32>
        %broadcast_in_dim3A_116 = arith.constant 2 : i32
        %broadcast_in_dim3A_117 = vector.broadcast %broadcast_in_dim3A_116 : i32 to vector<16xi32>
        %select_n3A_118 = arith.select %lt3A_114, %broadcast_in_dim3A_117, %broadcast_in_dim3A_7 : vector<16xi1>, vector<16xi32>
        %get3A_119 = arith.index_cast %add3A_96 : i32 to index
        %get3A_120 = arith.constant 48 : index
        %get3A_121 = tpu.vector_load %arg4[%get3A_119, %get3A_120] {strides = array<i32>} : memref<64x1024xf32, #tpu.memory_space<vmem>>, vector<16xf32>,
        %lt3A_122 = arith.cmpf olt, %get3A_121, %broadcast_in_dim3A_5 : vector<16xf32>
        %select_n3A_123 = arith.select %lt3A_122, %get3A_121, %broadcast_in_dim3A_5 : vector<16xi1>, vector<16xf32>
        %broadcast_in_dim3A_124 = arith.constant 3 : i32
        %broadcast_in_dim3A_125 = vector.broadcast %broadcast_in_dim3A_124 : i32 to vector<16xi32>
        %select_n3A_126 = arith.select %lt3A_122, %broadcast_in_dim3A_125, %broadcast_in_dim3A_7 : vector<16xi1>, vector<16xi32>
        %get3A_127 = arith.index_cast %add3A_96 : i32 to index
        %get3A_128 = arith.constant 64 : index
        %get3A_129 = tpu.vector_load %arg4[%get3A_127, %get3A_128] {strides = array<i32>} : memref<64x1024xf32, #tpu.memory_space<vmem>>, vector<16xf32>,
        %lt3A_130 = arith.cmpf olt, %get3A_129, %broadcast_in_dim3A_5 : vector<16xf32>
        %select_n3A_131 = arith.select %lt3A_130, %get3A_129, %broadcast_in_dim3A_5 : vector<16xi1>, vector<16xf32>
        %broadcast_in_dim3A_132 = arith.constant 4 : i32
        %broadcast_in_dim3A_133 = vector.broadcast %broadcast_in_dim3A_132 : i32 to vector<16xi32>
        %select_n3A_134 = arith.select %lt3A_130, %broadcast_in_dim3A_133, %broadcast_in_dim3A_7 : vector<16xi1>, vector<16xi32>
        %get3A_135 = arith.index_cast %add3A_96 : i32 to index
        %get3A_136 = arith.constant 80 : index
        %get3A_137 = tpu.vector_load %arg4[%get3A_135, %get3A_136] {strides = array<i32>} : memref<64x1024xf32, #tpu.memory_space<vmem>>, vector<16xf32>,
        %lt3A_138 = arith.cmpf olt, %get3A_137, %broadcast_in_dim3A_5 : vector<16xf32>
        %select_n3A_139 = arith.select %lt3A_138, %get3A_137, %broadcast_in_dim3A_5 : vector<16xi1>, vector<16xf32>
        %broadcast_in_dim3A_140 = arith.constant 5 : i32
        %broadcast_in_dim3A_141 = vector.broadcast %broadcast_in_dim3A_140 : i32 to vector<16xi32>
        %select_n3A_142 = arith.select %lt3A_138, %broadcast_in_dim3A_141, %broadcast_in_dim3A_7 : vector<16xi1>, vector<16xi32>
        %get3A_143 = arith.index_cast %add3A_96 : i32 to index
        %get3A_144 = arith.constant 96 : index
        %get3A_145 = tpu.vector_load %arg4[%get3A_143, %get3A_144] {strides = array<i32>} : memref<64x1024xf32, #tpu.memory_space<vmem>>, vector<16xf32>,
        %lt3A_146 = arith.cmpf olt, %get3A_145, %broadcast_in_dim3A_5 : vector<16xf32>
        %select_n3A_147 = arith.select %lt3A_146, %get3A_145, %broadcast_in_dim3A_5 : vector<16xi1>, vector<16xf32>
        %broadcast_in_dim3A_148 = arith.constant 6 : i32
        %broadcast_in_dim3A_149 = vector.broadcast %broadcast_in_dim3A_148 : i32 to vector<16xi32>
        %select_n3A_150 = arith.select %lt3A_146, %broadcast_in_dim3A_149, %broadcast_in_dim3A_7 : vector<16xi1>, vector<16xi32>
        %get3A_151 = arith.index_cast %add3A_96 : i32 to index
        %get3A_152 = arith.constant 112 : index
        %get3A_153 = tpu.vector_load %arg4[%get3A_151, %get3A_152] {strides = array<i32>} : memref<64x1024xf32, #tpu.memory_space<vmem>>, vector<16xf32>,
        %lt3A_154 = arith.cmpf olt, %get3A_153, %broadcast_in_dim3A_5 : vector<16xf32>
        %select_n3A_155 = arith.select %lt3A_154, %get3A_153, %broadcast_in_dim3A_5 : vector<16xi1>, vector<16xf32>
        %broadcast_in_dim3A_156 = arith.constant 7 : i32
        %broadcast_in_dim3A_157 = vector.broadcast %broadcast_in_dim3A_156 : i32 to vector<16xi32>
        %select_n3A_158 = arith.select %lt3A_154, %broadcast_in_dim3A_157, %broadcast_in_dim3A_7 : vector<16xi1>, vector<16xi32>
        %get3A_159 = arith.index_cast %add3A_96 : i32 to index
        %get3A_160 = arith.constant 128 : index
        %get3A_161 = tpu.vector_load %arg4[%get3A_159, %get3A_160] {strides = array<i32>} : memref<64x1024xf32, #tpu.memory_space<vmem>>, vector<16xf32>,
        %lt3A_162 = arith.cmpf olt, %get3A_161, %select_n3A : vector<16xf32>
        %select_n3A_163 = arith.select %lt3A_162, %get3A_161, %select_n3A : vector<16xi1>, vector<16xf32>
        %broadcast_in_dim3A_164 = arith.constant 8 : i32
        %broadcast_in_dim3A_165 = vector.broadcast %broadcast_in_dim3A_164 : i32 to vector<16xi32>
        %select_n3A_166 = arith.select %lt3A_162, %broadcast_in_dim3A_165, %select_n3A_102 : vector<16xi1>, vector<16xi32>
        %get3A_167 = arith.index_cast %add3A_96 : i32 to index
        %get3A_168 = arith.constant 144 : index
        %get3A_169 = tpu.vector_load %arg4[%get3A_167, %get3A_168] {strides = array<i32>} : memref<64x1024xf32, #tpu.memory_space<vmem>>, vector<16xf32>,
        %lt3A_170 = arith.cmpf olt, %get3A_169, %select_n3A_107 : vector<16xf32>
        %select_n3A_171 = arith.select %lt3A_170, %get3A_169, %select_n3A_107 : vector<16xi1>, vector<16xf32>
        %broadcast_in_dim3A_172 = arith.constant 9 : i32
        %broadcast_in_dim3A_173 = vector.broadcast %broadcast_in_dim3A_172 : i32 to vector<16xi32>
        %select_n3A_174 = arith.select %lt3A_170, %broadcast_in_dim3A_173, %select_n3A_110 : vector<16xi1>, vector<16xi32>
        %get3A_175 = arith.index_cast %add3A_96 : i32 to index
        %get3A_176 = arith.constant 160 : index
        %get3A_177 = tpu.vector_load %arg4[%get3A_175, %get3A_176] {strides = array<i32>} : memref<64x1024xf32, #tpu.memory_space<vmem>>, vector<16xf32>,
        %lt3A_178 = arith.cmpf olt, %get3A_177, %select_n3A_115 : vector<16xf32>
        %select_n3A_179 = arith.select %lt3A_178, %get3A_177, %select_n3A_115 : vector<16xi1>, vector<16xf32>
        %broadcast_in_dim3A_180 = arith.constant 10 : i32
        %broadcast_in_dim3A_181 = vector.broadcast %broadcast_in_dim3A_180 : i32 to vector<16xi32>
        %select_n3A_182 = arith.select %lt3A_178, %broadcast_in_dim3A_181, %select_n3A_118 : vector<16xi1>, vector<16xi32>
        %get3A_183 = arith.index_cast %add3A_96 : i32 to index
        %get3A_184 = arith.constant 176 : index
        %get3A_185 = tpu.vector_load %arg4[%get3A_183, %get3A_184] {strides = array<i32>} : memref<64x1024xf32, #tpu.memory_space<vmem>>, vector<16xf32>,
        %lt3A_186 = arith.cmpf olt, %get3A_185, %select_n3A_123 : vector<16xf32>
        %select_n3A_187 = arith.select %lt3A_186, %get3A_185, %select_n3A_123 : vector<16xi1>, vector<16xf32>
        %broadcast_in_dim3A_188 = arith.constant 11 : i32
        %broadcast_in_dim3A_189 = vector.broadcast %broadcast_in_dim3A_188 : i32 to vector<16xi32>
        %select_n3A_190 = arith.select %lt3A_186, %broadcast_in_dim3A_189, %select_n3A_126 : vector<16xi1>, vector<16xi32>
        %get3A_191 = arith.index_cast %add3A_96 : i32 to index
        %get3A_192 = arith.constant 192 : index
        %get3A_193 = tpu.vector_load %arg4[%get3A_191, %get3A_192] {strides = array<i32>} : memref<64x1024xf32, #tpu.memory_space<vmem>>, vector<16xf32>,
        %lt3A_194 = arith.cmpf olt, %get3A_193, %select_n3A_131 : vector<16xf32>
        %select_n3A_195 = arith.select %lt3A_194, %get3A_193, %select_n3A_131 : vector<16xi1>, vector<16xf32>
        %broadcast_in_dim3A_196 = arith.constant 12 : i32
        %broadcast_in_dim3A_197 = vector.broadcast %broadcast_in_dim3A_196 : i32 to vector<16xi32>
        %select_n3A_198 = arith.select %lt3A_194, %broadcast_in_dim3A_197, %select_n3A_134 : vector<16xi1>, vector<16xi32>
        %get3A_199 = arith.index_cast %add3A_96 : i32 to index
        %get3A_200 = arith.constant 208 : index
        %get3A_201 = tpu.vector_load %arg4[%get3A_199, %get3A_200] {strides = array<i32>} : memref<64x1024xf32, #tpu.memory_space<vmem>>, vector<16xf32>,
        %lt3A_202 = arith.cmpf olt, %get3A_201, %select_n3A_139 : vector<16xf32>
        %select_n3A_203 = arith.select %lt3A_202, %get3A_201, %select_n3A_139 : vector<16xi1>, vector<16xf32>
        %broadcast_in_dim3A_204 = arith.constant 13 : i32
        %broadcast_in_dim3A_205 = vector.broadcast %broadcast_in_dim3A_204 : i32 to vector<16xi32>
        %select_n3A_206 = arith.select %lt3A_202, %broadcast_in_dim3A_205, %select_n3A_142 : vector<16xi1>, vector<16xi32>
        %get3A_207 = arith.index_cast %add3A_96 : i32 to index
        %get3A_208 = arith.constant 224 : index
        %get3A_209 = tpu.vector_load %arg4[%get3A_207, %get3A_208] {strides = array<i32>} : memref<64x1024xf32, #tpu.memory_space<vmem>>, vector<16xf32>,
        %lt3A_210 = arith.cmpf olt, %get3A_209, %select_n3A_147 : vector<16xf32>
        %select_n3A_211 = arith.select %lt3A_210, %get3A_209, %select_n3A_147 : vector<16xi1>, vector<16xf32>
        %broadcast_in_dim3A_212 = arith.constant 14 : i32
        %broadcast_in_dim3A_213 = vector.broadcast %broadcast_in_dim3A_212 : i32 to vector<16xi32>
        %select_n3A_214 = arith.select %lt3A_210, %broadcast_in_dim3A_213, %select_n3A_150 : vector<16xi1>, vector<16xi32>
        %get3A_215 = arith.index_cast %add3A_96 : i32 to index
        %get3A_216 = arith.constant 240 : index
        %get3A_217 = tpu.vector_load %arg4[%get3A_215, %get3A_216] {strides = array<i32>} : memref<64x1024xf32, #tpu.memory_space<vmem>>, vector<16xf32>,
        %lt3A_218 = arith.cmpf olt, %get3A_217, %select_n3A_155 : vector<16xf32>
        %select_n3A_219 = arith.select %lt3A_218, %get3A_217, %select_n3A_155 : vector<16xi1>, vector<16xf32>
        %broadcast_in_dim3A_220 = arith.constant 15 : i32
        %broadcast_in_dim3A_221 = vector.broadcast %broadcast_in_dim3A_220 : i32 to vector<16xi32>
        %select_n3A_222 = arith.select %lt3A_218, %broadcast_in_dim3A_221, %select_n3A_158 : vector<16xi1>, vector<16xi32>
        %get3A_223 = arith.index_cast %add3A_96 : i32 to index
        %get3A_224 = arith.constant 256 : index
        %get3A_225 = tpu.vector_load %arg4[%get3A_223, %get3A_224] {strides = array<i32>} : memref<64x1024xf32, #tpu.memory_space<vmem>>, vector<16xf32>,
        %lt3A_226 = arith.cmpf olt, %get3A_225, %select_n3A_163 : vector<16xf32>
        %select_n3A_227 = arith.select %lt3A_226, %get3A_225, %select_n3A_163 : vector<16xi1>, vector<16xf32>
        %broadcast_in_dim3A_228 = arith.constant 16 : i32
        %broadcast_in_dim3A_229 = vector.broadcast %broadcast_in_dim3A_228 : i32 to vector<16xi32>
        %select_n3A_230 = arith.select %lt3A_226, %broadcast_in_dim3A_229, %select_n3A_166 : vector<16xi1>, vector<16xi32>
        %get3A_231 = arith.index_cast %add3A_96 : i32 to index
        %get3A_232 = arith.constant 272 : index
        %get3A_233 = tpu.vector_load %arg4[%get3A_231, %get3A_232] {strides = array<i32>} : memref<64x1024xf32, #tpu.memory_space<vmem>>, vector<16xf32>,
        %lt3A_234 = arith.cmpf olt, %get3A_233, %select_n3A_171 : vector<16xf32>
        %select_n3A_235 = arith.select %lt3A_234, %get3A_233, %select_n3A_171 : vector<16xi1>, vector<16xf32>
        %broadcast_in_dim3A_236 = arith.constant 17 : i32
        %broadcast_in_dim3A_237 = vector.broadcast %broadcast_in_dim3A_236 : i32 to vector<16xi32>
        %select_n3A_238 = arith.select %lt3A_234, %broadcast_in_dim3A_237, %select_n3A_174 : vector<16xi1>, vector<16xi32>
        %get3A_239 = arith.index_cast %add3A_96 : i32 to index
        %get3A_240 = arith.constant 288 : index
        %get3A_241 = tpu.vector_load %arg4[%get3A_239, %get3A_240] {strides = array<i32>} : memref<64x1024xf32, #tpu.memory_space<vmem>>, vector<16xf32>,
        %lt3A_242 = arith.cmpf olt, %get3A_241, %select_n3A_179 : vector<16xf32>
        %select_n3A_243 = arith.select %lt3A_242, %get3A_241, %select_n3A_179 : vector<16xi1>, vector<16xf32>
        %broadcast_in_dim3A_244 = arith.constant 18 : i32
        %broadcast_in_dim3A_245 = vector.broadcast %broadcast_in_dim3A_244 : i32 to vector<16xi32>
        %select_n3A_246 = arith.select %lt3A_242, %broadcast_in_dim3A_245, %select_n3A_182 : vector<16xi1>, vector<16xi32>
        %get3A_247 = arith.index_cast %add3A_96 : i32 to index
        %get3A_248 = arith.constant 304 : index
        %get3A_249 = tpu.vector_load %arg4[%get3A_247, %get3A_248] {strides = array<i32>} : memref<64x1024xf32, #tpu.memory_space<vmem>>, vector<16xf32>,
        %lt3A_250 = arith.cmpf olt, %get3A_249, %select_n3A_187 : vector<16xf32>
        %select_n3A_251 = arith.select %lt3A_250, %get3A_249, %select_n3A_187 : vector<16xi1>, vector<16xf32>
        %broadcast_in_dim3A_252 = arith.constant 19 : i32
        %broadcast_in_dim3A_253 = vector.broadcast %broadcast_in_dim3A_252 : i32 to vector<16xi32>
        %select_n3A_254 = arith.select %lt3A_250, %broadcast_in_dim3A_253, %select_n3A_190 : vector<16xi1>, vector<16xi32>
        %get3A_255 = arith.index_cast %add3A_96 : i32 to index
        %get3A_256 = arith.constant 320 : index
        %get3A_257 = tpu.vector_load %arg4[%get3A_255, %get3A_256] {strides = array<i32>} : memref<64x1024xf32, #tpu.memory_space<vmem>>, vector<16xf32>,
        %lt3A_258 = arith.cmpf olt, %get3A_257, %select_n3A_195 : vector<16xf32>
        %select_n3A_259 = arith.select %lt3A_258, %get3A_257, %select_n3A_195 : vector<16xi1>, vector<16xf32>
        %broadcast_in_dim3A_260 = arith.constant 20 : i32
        %broadcast_in_dim3A_261 = vector.broadcast %broadcast_in_dim3A_260 : i32 to vector<16xi32>
        %select_n3A_262 = arith.select %lt3A_258, %broadcast_in_dim3A_261, %select_n3A_198 : vector<16xi1>, vector<16xi32>
        %get3A_263 = arith.index_cast %add3A_96 : i32 to index
        %get3A_264 = arith.constant 336 : index
        %get3A_265 = tpu.vector_load %arg4[%get3A_263, %get3A_264] {strides = array<i32>} : memref<64x1024xf32, #tpu.memory_space<vmem>>, vector<16xf32>,
        %lt3A_266 = arith.cmpf olt, %get3A_265, %select_n3A_203 : vector<16xf32>
        %select_n3A_267 = arith.select %lt3A_266, %get3A_265, %select_n3A_203 : vector<16xi1>, vector<16xf32>
        %broadcast_in_dim3A_268 = arith.constant 21 : i32
        %broadcast_in_dim3A_269 = vector.broadcast %broadcast_in_dim3A_268 : i32 to vector<16xi32>
        %select_n3A_270 = arith.select %lt3A_266, %broadcast_in_dim3A_269, %select_n3A_206 : vector<16xi1>, vector<16xi32>
        %get3A_271 = arith.index_cast %add3A_96 : i32 to index
        %get3A_272 = arith.constant 352 : index
        %get3A_273 = tpu.vector_load %arg4[%get3A_271, %get3A_272] {strides = array<i32>} : memref<64x1024xf32, #tpu.memory_space<vmem>>, vector<16xf32>,
        %lt3A_274 = arith.cmpf olt, %get3A_273, %select_n3A_211 : vector<16xf32>
        %select_n3A_275 = arith.select %lt3A_274, %get3A_273, %select_n3A_211 : vector<16xi1>, vector<16xf32>
        %broadcast_in_dim3A_276 = arith.constant 22 : i32
        %broadcast_in_dim3A_277 = vector.broadcast %broadcast_in_dim3A_276 : i32 to vector<16xi32>
        %select_n3A_278 = arith.select %lt3A_274, %broadcast_in_dim3A_277, %select_n3A_214 : vector<16xi1>, vector<16xi32>
        %get3A_279 = arith.index_cast %add3A_96 : i32 to index
        %get3A_280 = arith.constant 368 : index
        %get3A_281 = tpu.vector_load %arg4[%get3A_279, %get3A_280] {strides = array<i32>} : memref<64x1024xf32, #tpu.memory_space<vmem>>, vector<16xf32>,
        %lt3A_282 = arith.cmpf olt, %get3A_281, %select_n3A_219 : vector<16xf32>
        %select_n3A_283 = arith.select %lt3A_282, %get3A_281, %select_n3A_219 : vector<16xi1>, vector<16xf32>
        %broadcast_in_dim3A_284 = arith.constant 23 : i32
        %broadcast_in_dim3A_285 = vector.broadcast %broadcast_in_dim3A_284 : i32 to vector<16xi32>
        %select_n3A_286 = arith.select %lt3A_282, %broadcast_in_dim3A_285, %select_n3A_222 : vector<16xi1>, vector<16xi32>
        %get3A_287 = arith.index_cast %add3A_96 : i32 to index
        %get3A_288 = arith.constant 384 : index
        %get3A_289 = tpu.vector_load %arg4[%get3A_287, %get3A_288] {strides = array<i32>} : memref<64x1024xf32, #tpu.memory_space<vmem>>, vector<16xf32>,
        %lt3A_290 = arith.cmpf olt, %get3A_289, %select_n3A_227 : vector<16xf32>
        %select_n3A_291 = arith.select %lt3A_290, %get3A_289, %select_n3A_227 : vector<16xi1>, vector<16xf32>
        %broadcast_in_dim3A_292 = arith.constant 24 : i32
        %broadcast_in_dim3A_293 = vector.broadcast %broadcast_in_dim3A_292 : i32 to vector<16xi32>
        %select_n3A_294 = arith.select %lt3A_290, %broadcast_in_dim3A_293, %select_n3A_230 : vector<16xi1>, vector<16xi32>
        %get3A_295 = arith.index_cast %add3A_96 : i32 to index
        %get3A_296 = arith.constant 400 : index
        %get3A_297 = tpu.vector_load %arg4[%get3A_295, %get3A_296] {strides = array<i32>} : memref<64x1024xf32, #tpu.memory_space<vmem>>, vector<16xf32>,
        %lt3A_298 = arith.cmpf olt, %get3A_297, %select_n3A_235 : vector<16xf32>
        %select_n3A_299 = arith.select %lt3A_298, %get3A_297, %select_n3A_235 : vector<16xi1>, vector<16xf32>
        %broadcast_in_dim3A_300 = arith.constant 25 : i32
        %broadcast_in_dim3A_301 = vector.broadcast %broadcast_in_dim3A_300 : i32 to vector<16xi32>
        %select_n3A_302 = arith.select %lt3A_298, %broadcast_in_dim3A_301, %select_n3A_238 : vector<16xi1>, vector<16xi32>
        %get3A_303 = arith.index_cast %add3A_96 : i32 to index
        %get3A_304 = arith.constant 416 : index
        %get3A_305 = tpu.vector_load %arg4[%get3A_303, %get3A_304] {strides = array<i32>} : memref<64x1024xf32, #tpu.memory_space<vmem>>, vector<16xf32>,
        %lt3A_306 = arith.cmpf olt, %get3A_305, %select_n3A_243 : vector<16xf32>
        %select_n3A_307 = arith.select %lt3A_306, %get3A_305, %select_n3A_243 : vector<16xi1>, vector<16xf32>
        %broadcast_in_dim3A_308 = arith.constant 26 : i32
        %broadcast_in_dim3A_309 = vector.broadcast %broadcast_in_dim3A_308 : i32 to vector<16xi32>
        %select_n3A_310 = arith.select %lt3A_306, %broadcast_in_dim3A_309, %select_n3A_246 : vector<16xi1>, vector<16xi32>
        %get3A_311 = arith.index_cast %add3A_96 : i32 to index
        %get3A_312 = arith.constant 432 : index
        %get3A_313 = tpu.vector_load %arg4[%get3A_311, %get3A_312] {strides = array<i32>} : memref<64x1024xf32, #tpu.memory_space<vmem>>, vector<16xf32>,
        %lt3A_314 = arith.cmpf olt, %get3A_313, %select_n3A_251 : vector<16xf32>
        %select_n3A_315 = arith.select %lt3A_314, %get3A_313, %select_n3A_251 : vector<16xi1>, vector<16xf32>
        %broadcast_in_dim3A_316 = arith.constant 27 : i32
        %broadcast_in_dim3A_317 = vector.broadcast %broadcast_in_dim3A_316 : i32 to vector<16xi32>
        %select_n3A_318 = arith.select %lt3A_314, %broadcast_in_dim3A_317, %select_n3A_254 : vector<16xi1>, vector<16xi32>
        %get3A_319 = arith.index_cast %add3A_96 : i32 to index
        %get3A_320 = arith.constant 448 : index
        %get3A_321 = tpu.vector_load %arg4[%get3A_319, %get3A_320] {strides = array<i32>} : memref<64x1024xf32, #tpu.memory_space<vmem>>, vector<16xf32>,
        %lt3A_322 = arith.cmpf olt, %get3A_321, %select_n3A_259 : vector<16xf32>
        %select_n3A_323 = arith.select %lt3A_322, %get3A_321, %select_n3A_259 : vector<16xi1>, vector<16xf32>
        %broadcast_in_dim3A_324 = arith.constant 28 : i32
        %broadcast_in_dim3A_325 = vector.broadcast %broadcast_in_dim3A_324 : i32 to vector<16xi32>
        %select_n3A_326 = arith.select %lt3A_322, %broadcast_in_dim3A_325, %select_n3A_262 : vector<16xi1>, vector<16xi32>
        %get3A_327 = arith.index_cast %add3A_96 : i32 to index
        %get3A_328 = arith.constant 464 : index
        %get3A_329 = tpu.vector_load %arg4[%get3A_327, %get3A_328] {strides = array<i32>} : memref<64x1024xf32, #tpu.memory_space<vmem>>, vector<16xf32>,
        %lt3A_330 = arith.cmpf olt, %get3A_329, %select_n3A_267 : vector<16xf32>
        %select_n3A_331 = arith.select %lt3A_330, %get3A_329, %select_n3A_267 : vector<16xi1>, vector<16xf32>
        %broadcast_in_dim3A_332 = arith.constant 29 : i32
        %broadcast_in_dim3A_333 = vector.broadcast %broadcast_in_dim3A_332 : i32 to vector<16xi32>
        %select_n3A_334 = arith.select %lt3A_330, %broadcast_in_dim3A_333, %select_n3A_270 : vector<16xi1>, vector<16xi32>
        %get3A_335 = arith.index_cast %add3A_96 : i32 to index
        %get3A_336 = arith.constant 480 : index
        %get3A_337 = tpu.vector_load %arg4[%get3A_335, %get3A_336] {strides = array<i32>} : memref<64x1024xf32, #tpu.memory_space<vmem>>, vector<16xf32>,
        %lt3A_338 = arith.cmpf olt, %get3A_337, %select_n3A_275 : vector<16xf32>
        %select_n3A_339 = arith.select %lt3A_338, %get3A_337, %select_n3A_275 : vector<16xi1>, vector<16xf32>
        %broadcast_in_dim3A_340 = arith.constant 30 : i32
        %broadcast_in_dim3A_341 = vector.broadcast %broadcast_in_dim3A_340 : i32 to vector<16xi32>
        %select_n3A_342 = arith.select %lt3A_338, %broadcast_in_dim3A_341, %select_n3A_278 : vector<16xi1>, vector<16xi32>
        %get3A_343 = arith.index_cast %add3A_96 : i32 to index
        %get3A_344 = arith.constant 496 : index
        %get3A_345 = tpu.vector_load %arg4[%get3A_343, %get3A_344] {strides = array<i32>} : memref<64x1024xf32, #tpu.memory_space<vmem>>, vector<16xf32>,
        %lt3A_346 = arith.cmpf olt, %get3A_345, %select_n3A_283 : vector<16xf32>
        %select_n3A_347 = arith.select %lt3A_346, %get3A_345, %select_n3A_283 : vector<16xi1>, vector<16xf32>
        %broadcast_in_dim3A_348 = arith.constant 31 : i32
        %broadcast_in_dim3A_349 = vector.broadcast %broadcast_in_dim3A_348 : i32 to vector<16xi32>
        %select_n3A_350 = arith.select %lt3A_346, %broadcast_in_dim3A_349, %select_n3A_286 : vector<16xi1>, vector<16xi32>
        %get3A_351 = arith.index_cast %add3A_96 : i32 to index
        %get3A_352 = arith.constant 512 : index
        %get3A_353 = tpu.vector_load %arg4[%get3A_351, %get3A_352] {strides = array<i32>} : memref<64x1024xf32, #tpu.memory_space<vmem>>, vector<16xf32>,
        %lt3A_354 = arith.cmpf olt, %get3A_353, %select_n3A_291 : vector<16xf32>
        %select_n3A_355 = arith.select %lt3A_354, %get3A_353, %select_n3A_291 : vector<16xi1>, vector<16xf32>
        %broadcast_in_dim3A_356 = arith.constant 32 : i32
        %broadcast_in_dim3A_357 = vector.broadcast %broadcast_in_dim3A_356 : i32 to vector<16xi32>
        %select_n3A_358 = arith.select %lt3A_354, %broadcast_in_dim3A_357, %select_n3A_294 : vector<16xi1>, vector<16xi32>
        %get3A_359 = arith.index_cast %add3A_96 : i32 to index
        %get3A_360 = arith.constant 528 : index
        %get3A_361 = tpu.vector_load %arg4[%get3A_359, %get3A_360] {strides = array<i32>} : memref<64x1024xf32, #tpu.memory_space<vmem>>, vector<16xf32>,
        %lt3A_362 = arith.cmpf olt, %get3A_361, %select_n3A_299 : vector<16xf32>
        %select_n3A_363 = arith.select %lt3A_362, %get3A_361, %select_n3A_299 : vector<16xi1>, vector<16xf32>
        %broadcast_in_dim3A_364 = arith.constant 33 : i32
        %broadcast_in_dim3A_365 = vector.broadcast %broadcast_in_dim3A_364 : i32 to vector<16xi32>
        %select_n3A_366 = arith.select %lt3A_362, %broadcast_in_dim3A_365, %select_n3A_302 : vector<16xi1>, vector<16xi32>
        %get3A_367 = arith.index_cast %add3A_96 : i32 to index
        %get3A_368 = arith.constant 544 : index
        %get3A_369 = tpu.vector_load %arg4[%get3A_367, %get3A_368] {strides = array<i32>} : memref<64x1024xf32, #tpu.memory_space<vmem>>, vector<16xf32>,
        %lt3A_370 = arith.cmpf olt, %get3A_369, %select_n3A_307 : vector<16xf32>
        %select_n3A_371 = arith.select %lt3A_370, %get3A_369, %select_n3A_307 : vector<16xi1>, vector<16xf32>
        %broadcast_in_dim3A_372 = arith.constant 34 : i32
        %broadcast_in_dim3A_373 = vector.broadcast %broadcast_in_dim3A_372 : i32 to vector<16xi32>
        %select_n3A_374 = arith.select %lt3A_370, %broadcast_in_dim3A_373, %select_n3A_310 : vector<16xi1>, vector<16xi32>
        %get3A_375 = arith.index_cast %add3A_96 : i32 to index
        %get3A_376 = arith.constant 560 : index
        %get3A_377 = tpu.vector_load %arg4[%get3A_375, %get3A_376] {strides = array<i32>} : memref<64x1024xf32, #tpu.memory_space<vmem>>, vector<16xf32>,
        %lt3A_378 = arith.cmpf olt, %get3A_377, %select_n3A_315 : vector<16xf32>
        %select_n3A_379 = arith.select %lt3A_378, %get3A_377, %select_n3A_315 : vector<16xi1>, vector<16xf32>
        %broadcast_in_dim3A_380 = arith.constant 35 : i32
        %broadcast_in_dim3A_381 = vector.broadcast %broadcast_in_dim3A_380 : i32 to vector<16xi32>
        %select_n3A_382 = arith.select %lt3A_378, %broadcast_in_dim3A_381, %select_n3A_318 : vector<16xi1>, vector<16xi32>
        %get3A_383 = arith.index_cast %add3A_96 : i32 to index
        %get3A_384 = arith.constant 576 : index
        %get3A_385 = tpu.vector_load %arg4[%get3A_383, %get3A_384] {strides = array<i32>} : memref<64x1024xf32, #tpu.memory_space<vmem>>, vector<16xf32>,
        %lt3A_386 = arith.cmpf olt, %get3A_385, %select_n3A_323 : vector<16xf32>
        %select_n3A_387 = arith.select %lt3A_386, %get3A_385, %select_n3A_323 : vector<16xi1>, vector<16xf32>
        %broadcast_in_dim3A_388 = arith.constant 36 : i32
        %broadcast_in_dim3A_389 = vector.broadcast %broadcast_in_dim3A_388 : i32 to vector<16xi32>
        %select_n3A_390 = arith.select %lt3A_386, %broadcast_in_dim3A_389, %select_n3A_326 : vector<16xi1>, vector<16xi32>
        %get3A_391 = arith.index_cast %add3A_96 : i32 to index
        %get3A_392 = arith.constant 592 : index
        %get3A_393 = tpu.vector_load %arg4[%get3A_391, %get3A_392] {strides = array<i32>} : memref<64x1024xf32, #tpu.memory_space<vmem>>, vector<16xf32>,
        %lt3A_394 = arith.cmpf olt, %get3A_393, %select_n3A_331 : vector<16xf32>
        %select_n3A_395 = arith.select %lt3A_394, %get3A_393, %select_n3A_331 : vector<16xi1>, vector<16xf32>
        %broadcast_in_dim3A_396 = arith.constant 37 : i32
        %broadcast_in_dim3A_397 = vector.broadcast %broadcast_in_dim3A_396 : i32 to vector<16xi32>
        %select_n3A_398 = arith.select %lt3A_394, %broadcast_in_dim3A_397, %select_n3A_334 : vector<16xi1>, vector<16xi32>
        %get3A_399 = arith.index_cast %add3A_96 : i32 to index
        %get3A_400 = arith.constant 608 : index
        %get3A_401 = tpu.vector_load %arg4[%get3A_399, %get3A_400] {strides = array<i32>} : memref<64x1024xf32, #tpu.memory_space<vmem>>, vector<16xf32>,
        %lt3A_402 = arith.cmpf olt, %get3A_401, %select_n3A_339 : vector<16xf32>
        %select_n3A_403 = arith.select %lt3A_402, %get3A_401, %select_n3A_339 : vector<16xi1>, vector<16xf32>
        %broadcast_in_dim3A_404 = arith.constant 38 : i32
        %broadcast_in_dim3A_405 = vector.broadcast %broadcast_in_dim3A_404 : i32 to vector<16xi32>
        %select_n3A_406 = arith.select %lt3A_402, %broadcast_in_dim3A_405, %select_n3A_342 : vector<16xi1>, vector<16xi32>
        %get3A_407 = arith.index_cast %add3A_96 : i32 to index
        %get3A_408 = arith.constant 624 : index
        %get3A_409 = tpu.vector_load %arg4[%get3A_407, %get3A_408] {strides = array<i32>} : memref<64x1024xf32, #tpu.memory_space<vmem>>, vector<16xf32>,
        %lt3A_410 = arith.cmpf olt, %get3A_409, %select_n3A_347 : vector<16xf32>
        %select_n3A_411 = arith.select %lt3A_410, %get3A_409, %select_n3A_347 : vector<16xi1>, vector<16xf32>
        %broadcast_in_dim3A_412 = arith.constant 39 : i32
        %broadcast_in_dim3A_413 = vector.broadcast %broadcast_in_dim3A_412 : i32 to vector<16xi32>
        %select_n3A_414 = arith.select %lt3A_410, %broadcast_in_dim3A_413, %select_n3A_350 : vector<16xi1>, vector<16xi32>
        %get3A_415 = arith.index_cast %add3A_96 : i32 to index
        %get3A_416 = arith.constant 640 : index
        %get3A_417 = tpu.vector_load %arg4[%get3A_415, %get3A_416] {strides = array<i32>} : memref<64x1024xf32, #tpu.memory_space<vmem>>, vector<16xf32>,
        %lt3A_418 = arith.cmpf olt, %get3A_417, %select_n3A_355 : vector<16xf32>
        %select_n3A_419 = arith.select %lt3A_418, %get3A_417, %select_n3A_355 : vector<16xi1>, vector<16xf32>
        %broadcast_in_dim3A_420 = arith.constant 40 : i32
        %broadcast_in_dim3A_421 = vector.broadcast %broadcast_in_dim3A_420 : i32 to vector<16xi32>
        %select_n3A_422 = arith.select %lt3A_418, %broadcast_in_dim3A_421, %select_n3A_358 : vector<16xi1>, vector<16xi32>
        %get3A_423 = arith.index_cast %add3A_96 : i32 to index
        %get3A_424 = arith.constant 656 : index
        %get3A_425 = tpu.vector_load %arg4[%get3A_423, %get3A_424] {strides = array<i32>} : memref<64x1024xf32, #tpu.memory_space<vmem>>, vector<16xf32>,
        %lt3A_426 = arith.cmpf olt, %get3A_425, %select_n3A_363 : vector<16xf32>
        %select_n3A_427 = arith.select %lt3A_426, %get3A_425, %select_n3A_363 : vector<16xi1>, vector<16xf32>
        %broadcast_in_dim3A_428 = arith.constant 41 : i32
        %broadcast_in_dim3A_429 = vector.broadcast %broadcast_in_dim3A_428 : i32 to vector<16xi32>
        %select_n3A_430 = arith.select %lt3A_426, %broadcast_in_dim3A_429, %select_n3A_366 : vector<16xi1>, vector<16xi32>
        %get3A_431 = arith.index_cast %add3A_96 : i32 to index
        %get3A_432 = arith.constant 672 : index
        %get3A_433 = tpu.vector_load %arg4[%get3A_431, %get3A_432] {strides = array<i32>} : memref<64x1024xf32, #tpu.memory_space<vmem>>, vector<16xf32>,
        %lt3A_434 = arith.cmpf olt, %get3A_433, %select_n3A_371 : vector<16xf32>
        %select_n3A_435 = arith.select %lt3A_434, %get3A_433, %select_n3A_371 : vector<16xi1>, vector<16xf32>
        %broadcast_in_dim3A_436 = arith.constant 42 : i32
        %broadcast_in_dim3A_437 = vector.broadcast %broadcast_in_dim3A_436 : i32 to vector<16xi32>
        %select_n3A_438 = arith.select %lt3A_434, %broadcast_in_dim3A_437, %select_n3A_374 : vector<16xi1>, vector<16xi32>
        %get3A_439 = arith.index_cast %add3A_96 : i32 to index
        %get3A_440 = arith.constant 688 : index
        %get3A_441 = tpu.vector_load %arg4[%get3A_439, %get3A_440] {strides = array<i32>} : memref<64x1024xf32, #tpu.memory_space<vmem>>, vector<16xf32>,
        %lt3A_442 = arith.cmpf olt, %get3A_441, %select_n3A_379 : vector<16xf32>
        %select_n3A_443 = arith.select %lt3A_442, %get3A_441, %select_n3A_379 : vector<16xi1>, vector<16xf32>
        %broadcast_in_dim3A_444 = arith.constant 43 : i32
        %broadcast_in_dim3A_445 = vector.broadcast %broadcast_in_dim3A_444 : i32 to vector<16xi32>
        %select_n3A_446 = arith.select %lt3A_442, %broadcast_in_dim3A_445, %select_n3A_382 : vector<16xi1>, vector<16xi32>
        %get3A_447 = arith.index_cast %add3A_96 : i32 to index
        %get3A_448 = arith.constant 704 : index
        %get3A_449 = tpu.vector_load %arg4[%get3A_447, %get3A_448] {strides = array<i32>} : memref<64x1024xf32, #tpu.memory_space<vmem>>, vector<16xf32>,
        %lt3A_450 = arith.cmpf olt, %get3A_449, %select_n3A_387 : vector<16xf32>
        %select_n3A_451 = arith.select %lt3A_450, %get3A_449, %select_n3A_387 : vector<16xi1>, vector<16xf32>
        %broadcast_in_dim3A_452 = arith.constant 44 : i32
        %broadcast_in_dim3A_453 = vector.broadcast %broadcast_in_dim3A_452 : i32 to vector<16xi32>
        %select_n3A_454 = arith.select %lt3A_450, %broadcast_in_dim3A_453, %select_n3A_390 : vector<16xi1>, vector<16xi32>
        %get3A_455 = arith.index_cast %add3A_96 : i32 to index
        %get3A_456 = arith.constant 720 : index
        %get3A_457 = tpu.vector_load %arg4[%get3A_455, %get3A_456] {strides = array<i32>} : memref<64x1024xf32, #tpu.memory_space<vmem>>, vector<16xf32>,
        %lt3A_458 = arith.cmpf olt, %get3A_457, %select_n3A_395 : vector<16xf32>
        %select_n3A_459 = arith.select %lt3A_458, %get3A_457, %select_n3A_395 : vector<16xi1>, vector<16xf32>
        %broadcast_in_dim3A_460 = arith.constant 45 : i32
        %broadcast_in_dim3A_461 = vector.broadcast %broadcast_in_dim3A_460 : i32 to vector<16xi32>
        %select_n3A_462 = arith.select %lt3A_458, %broadcast_in_dim3A_461, %select_n3A_398 : vector<16xi1>, vector<16xi32>
        %get3A_463 = arith.index_cast %add3A_96 : i32 to index
        %get3A_464 = arith.constant 736 : index
        %get3A_465 = tpu.vector_load %arg4[%get3A_463, %get3A_464] {strides = array<i32>} : memref<64x1024xf32, #tpu.memory_space<vmem>>, vector<16xf32>,
        %lt3A_466 = arith.cmpf olt, %get3A_465, %select_n3A_403 : vector<16xf32>
        %select_n3A_467 = arith.select %lt3A_466, %get3A_465, %select_n3A_403 : vector<16xi1>, vector<16xf32>
        %broadcast_in_dim3A_468 = arith.constant 46 : i32
        %broadcast_in_dim3A_469 = vector.broadcast %broadcast_in_dim3A_468 : i32 to vector<16xi32>
        %select_n3A_470 = arith.select %lt3A_466, %broadcast_in_dim3A_469, %select_n3A_406 : vector<16xi1>, vector<16xi32>
        %get3A_471 = arith.index_cast %add3A_96 : i32 to index
        %get3A_472 = arith.constant 752 : index
        %get3A_473 = tpu.vector_load %arg4[%get3A_471, %get3A_472] {strides = array<i32>} : memref<64x1024xf32, #tpu.memory_space<vmem>>, vector<16xf32>,
        %lt3A_474 = arith.cmpf olt, %get3A_473, %select_n3A_411 : vector<16xf32>
        %select_n3A_475 = arith.select %lt3A_474, %get3A_473, %select_n3A_411 : vector<16xi1>, vector<16xf32>
        %broadcast_in_dim3A_476 = arith.constant 47 : i32
        %broadcast_in_dim3A_477 = vector.broadcast %broadcast_in_dim3A_476 : i32 to vector<16xi32>
        %select_n3A_478 = arith.select %lt3A_474, %broadcast_in_dim3A_477, %select_n3A_414 : vector<16xi1>, vector<16xi32>
        %get3A_479 = arith.index_cast %add3A_96 : i32 to index
        %get3A_480 = arith.constant 768 : index
        %get3A_481 = tpu.vector_load %arg4[%get3A_479, %get3A_480] {strides = array<i32>} : memref<64x1024xf32, #tpu.memory_space<vmem>>, vector<16xf32>,
        %lt3A_482 = arith.cmpf olt, %get3A_481, %select_n3A_419 : vector<16xf32>
        %select_n3A_483 = arith.select %lt3A_482, %get3A_481, %select_n3A_419 : vector<16xi1>, vector<16xf32>
        %broadcast_in_dim3A_484 = arith.constant 48 : i32
        %broadcast_in_dim3A_485 = vector.broadcast %broadcast_in_dim3A_484 : i32 to vector<16xi32>
        %select_n3A_486 = arith.select %lt3A_482, %broadcast_in_dim3A_485, %select_n3A_422 : vector<16xi1>, vector<16xi32>
        %get3A_487 = arith.index_cast %add3A_96 : i32 to index
        %get3A_488 = arith.constant 784 : index
        %get3A_489 = tpu.vector_load %arg4[%get3A_487, %get3A_488] {strides = array<i32>} : memref<64x1024xf32, #tpu.memory_space<vmem>>, vector<16xf32>,
        %lt3A_490 = arith.cmpf olt, %get3A_489, %select_n3A_427 : vector<16xf32>
        %select_n3A_491 = arith.select %lt3A_490, %get3A_489, %select_n3A_427 : vector<16xi1>, vector<16xf32>
        %broadcast_in_dim3A_492 = arith.constant 49 : i32
        %broadcast_in_dim3A_493 = vector.broadcast %broadcast_in_dim3A_492 : i32 to vector<16xi32>
        %select_n3A_494 = arith.select %lt3A_490, %broadcast_in_dim3A_493, %select_n3A_430 : vector<16xi1>, vector<16xi32>
        %get3A_495 = arith.index_cast %add3A_96 : i32 to index
        %get3A_496 = arith.constant 800 : index
        %get3A_497 = tpu.vector_load %arg4[%get3A_495, %get3A_496] {strides = array<i32>} : memref<64x1024xf32, #tpu.memory_space<vmem>>, vector<16xf32>,
        %lt3A_498 = arith.cmpf olt, %get3A_497, %select_n3A_435 : vector<16xf32>
        %select_n3A_499 = arith.select %lt3A_498, %get3A_497, %select_n3A_435 : vector<16xi1>, vector<16xf32>
        %broadcast_in_dim3A_500 = arith.constant 50 : i32
        %broadcast_in_dim3A_501 = vector.broadcast %broadcast_in_dim3A_500 : i32 to vector<16xi32>
        %select_n3A_502 = arith.select %lt3A_498, %broadcast_in_dim3A_501, %select_n3A_438 : vector<16xi1>, vector<16xi32>
        %get3A_503 = arith.index_cast %add3A_96 : i32 to index
        %get3A_504 = arith.constant 816 : index
        %get3A_505 = tpu.vector_load %arg4[%get3A_503, %get3A_504] {strides = array<i32>} : memref<64x1024xf32, #tpu.memory_space<vmem>>, vector<16xf32>,
        %lt3A_506 = arith.cmpf olt, %get3A_505, %select_n3A_443 : vector<16xf32>
        %select_n3A_507 = arith.select %lt3A_506, %get3A_505, %select_n3A_443 : vector<16xi1>, vector<16xf32>
        %broadcast_in_dim3A_508 = arith.constant 51 : i32
        %broadcast_in_dim3A_509 = vector.broadcast %broadcast_in_dim3A_508 : i32 to vector<16xi32>
        %select_n3A_510 = arith.select %lt3A_506, %broadcast_in_dim3A_509, %select_n3A_446 : vector<16xi1>, vector<16xi32>
        %get3A_511 = arith.index_cast %add3A_96 : i32 to index
        %get3A_512 = arith.constant 832 : index
        %get3A_513 = tpu.vector_load %arg4[%get3A_511, %get3A_512] {strides = array<i32>} : memref<64x1024xf32, #tpu.memory_space<vmem>>, vector<16xf32>,
        %lt3A_514 = arith.cmpf olt, %get3A_513, %select_n3A_451 : vector<16xf32>
        %select_n3A_515 = arith.select %lt3A_514, %get3A_513, %select_n3A_451 : vector<16xi1>, vector<16xf32>
        %broadcast_in_dim3A_516 = arith.constant 52 : i32
        %broadcast_in_dim3A_517 = vector.broadcast %broadcast_in_dim3A_516 : i32 to vector<16xi32>
        %select_n3A_518 = arith.select %lt3A_514, %broadcast_in_dim3A_517, %select_n3A_454 : vector<16xi1>, vector<16xi32>
        %get3A_519 = arith.index_cast %add3A_96 : i32 to index
        %get3A_520 = arith.constant 848 : index
        %get3A_521 = tpu.vector_load %arg4[%get3A_519, %get3A_520] {strides = array<i32>} : memref<64x1024xf32, #tpu.memory_space<vmem>>, vector<16xf32>,
        %lt3A_522 = arith.cmpf olt, %get3A_521, %select_n3A_459 : vector<16xf32>
        %select_n3A_523 = arith.select %lt3A_522, %get3A_521, %select_n3A_459 : vector<16xi1>, vector<16xf32>
        %broadcast_in_dim3A_524 = arith.constant 53 : i32
        %broadcast_in_dim3A_525 = vector.broadcast %broadcast_in_dim3A_524 : i32 to vector<16xi32>
        %select_n3A_526 = arith.select %lt3A_522, %broadcast_in_dim3A_525, %select_n3A_462 : vector<16xi1>, vector<16xi32>
        %get3A_527 = arith.index_cast %add3A_96 : i32 to index
        %get3A_528 = arith.constant 864 : index
        %get3A_529 = tpu.vector_load %arg4[%get3A_527, %get3A_528] {strides = array<i32>} : memref<64x1024xf32, #tpu.memory_space<vmem>>, vector<16xf32>,
        %lt3A_530 = arith.cmpf olt, %get3A_529, %select_n3A_467 : vector<16xf32>
        %select_n3A_531 = arith.select %lt3A_530, %get3A_529, %select_n3A_467 : vector<16xi1>, vector<16xf32>
        %broadcast_in_dim3A_532 = arith.constant 54 : i32
        %broadcast_in_dim3A_533 = vector.broadcast %broadcast_in_dim3A_532 : i32 to vector<16xi32>
        %select_n3A_534 = arith.select %lt3A_530, %broadcast_in_dim3A_533, %select_n3A_470 : vector<16xi1>, vector<16xi32>
        %get3A_535 = arith.index_cast %add3A_96 : i32 to index
        %get3A_536 = arith.constant 880 : index
        %get3A_537 = tpu.vector_load %arg4[%get3A_535, %get3A_536] {strides = array<i32>} : memref<64x1024xf32, #tpu.memory_space<vmem>>, vector<16xf32>,
        %lt3A_538 = arith.cmpf olt, %get3A_537, %select_n3A_475 : vector<16xf32>
        %select_n3A_539 = arith.select %lt3A_538, %get3A_537, %select_n3A_475 : vector<16xi1>, vector<16xf32>
        %broadcast_in_dim3A_540 = arith.constant 55 : i32
        %broadcast_in_dim3A_541 = vector.broadcast %broadcast_in_dim3A_540 : i32 to vector<16xi32>
        %select_n3A_542 = arith.select %lt3A_538, %broadcast_in_dim3A_541, %select_n3A_478 : vector<16xi1>, vector<16xi32>
        %get3A_543 = arith.index_cast %add3A_96 : i32 to index
        %get3A_544 = arith.constant 896 : index
        %get3A_545 = tpu.vector_load %arg4[%get3A_543, %get3A_544] {strides = array<i32>} : memref<64x1024xf32, #tpu.memory_space<vmem>>, vector<16xf32>,
        %lt3A_546 = arith.cmpf olt, %get3A_545, %select_n3A_483 : vector<16xf32>
        %select_n3A_547 = arith.select %lt3A_546, %get3A_545, %select_n3A_483 : vector<16xi1>, vector<16xf32>
        %broadcast_in_dim3A_548 = arith.constant 56 : i32
        %broadcast_in_dim3A_549 = vector.broadcast %broadcast_in_dim3A_548 : i32 to vector<16xi32>
        %select_n3A_550 = arith.select %lt3A_546, %broadcast_in_dim3A_549, %select_n3A_486 : vector<16xi1>, vector<16xi32>
        %get3A_551 = arith.index_cast %add3A_96 : i32 to index
        %get3A_552 = arith.constant 912 : index
        %get3A_553 = tpu.vector_load %arg4[%get3A_551, %get3A_552] {strides = array<i32>} : memref<64x1024xf32, #tpu.memory_space<vmem>>, vector<16xf32>,
        %lt3A_554 = arith.cmpf olt, %get3A_553, %select_n3A_491 : vector<16xf32>
        %select_n3A_555 = arith.select %lt3A_554, %get3A_553, %select_n3A_491 : vector<16xi1>, vector<16xf32>
        %broadcast_in_dim3A_556 = arith.constant 57 : i32
        %broadcast_in_dim3A_557 = vector.broadcast %broadcast_in_dim3A_556 : i32 to vector<16xi32>
        %select_n3A_558 = arith.select %lt3A_554, %broadcast_in_dim3A_557, %select_n3A_494 : vector<16xi1>, vector<16xi32>
        %get3A_559 = arith.index_cast %add3A_96 : i32 to index
        %get3A_560 = arith.constant 928 : index
        %get3A_561 = tpu.vector_load %arg4[%get3A_559, %get3A_560] {strides = array<i32>} : memref<64x1024xf32, #tpu.memory_space<vmem>>, vector<16xf32>,
        %lt3A_562 = arith.cmpf olt, %get3A_561, %select_n3A_499 : vector<16xf32>
        %select_n3A_563 = arith.select %lt3A_562, %get3A_561, %select_n3A_499 : vector<16xi1>, vector<16xf32>
        %broadcast_in_dim3A_564 = arith.constant 58 : i32
        %broadcast_in_dim3A_565 = vector.broadcast %broadcast_in_dim3A_564 : i32 to vector<16xi32>
        %select_n3A_566 = arith.select %lt3A_562, %broadcast_in_dim3A_565, %select_n3A_502 : vector<16xi1>, vector<16xi32>
        %get3A_567 = arith.index_cast %add3A_96 : i32 to index
        %get3A_568 = arith.constant 944 : index
        %get3A_569 = tpu.vector_load %arg4[%get3A_567, %get3A_568] {strides = array<i32>} : memref<64x1024xf32, #tpu.memory_space<vmem>>, vector<16xf32>,
        %lt3A_570 = arith.cmpf olt, %get3A_569, %select_n3A_507 : vector<16xf32>
        %select_n3A_571 = arith.select %lt3A_570, %get3A_569, %select_n3A_507 : vector<16xi1>, vector<16xf32>
        %broadcast_in_dim3A_572 = arith.constant 59 : i32
        %broadcast_in_dim3A_573 = vector.broadcast %broadcast_in_dim3A_572 : i32 to vector<16xi32>
        %select_n3A_574 = arith.select %lt3A_570, %broadcast_in_dim3A_573, %select_n3A_510 : vector<16xi1>, vector<16xi32>
        %get3A_575 = arith.index_cast %add3A_96 : i32 to index
        %get3A_576 = arith.constant 960 : index
        %get3A_577 = tpu.vector_load %arg4[%get3A_575, %get3A_576] {strides = array<i32>} : memref<64x1024xf32, #tpu.memory_space<vmem>>, vector<16xf32>,
        %lt3A_578 = arith.cmpf olt, %get3A_577, %select_n3A_515 : vector<16xf32>
        %select_n3A_579 = arith.select %lt3A_578, %get3A_577, %select_n3A_515 : vector<16xi1>, vector<16xf32>
        %broadcast_in_dim3A_580 = arith.constant 60 : i32
        %broadcast_in_dim3A_581 = vector.broadcast %broadcast_in_dim3A_580 : i32 to vector<16xi32>
        %select_n3A_582 = arith.select %lt3A_578, %broadcast_in_dim3A_581, %select_n3A_518 : vector<16xi1>, vector<16xi32>
        %get3A_583 = arith.index_cast %add3A_96 : i32 to index
        %get3A_584 = arith.constant 976 : index
        %get3A_585 = tpu.vector_load %arg4[%get3A_583, %get3A_584] {strides = array<i32>} : memref<64x1024xf32, #tpu.memory_space<vmem>>, vector<16xf32>,
        %lt3A_586 = arith.cmpf olt, %get3A_585, %select_n3A_523 : vector<16xf32>
        %select_n3A_587 = arith.select %lt3A_586, %get3A_585, %select_n3A_523 : vector<16xi1>, vector<16xf32>
        %broadcast_in_dim3A_588 = arith.constant 61 : i32
        %broadcast_in_dim3A_589 = vector.broadcast %broadcast_in_dim3A_588 : i32 to vector<16xi32>
        %select_n3A_590 = arith.select %lt3A_586, %broadcast_in_dim3A_589, %select_n3A_526 : vector<16xi1>, vector<16xi32>
        %get3A_591 = arith.index_cast %add3A_96 : i32 to index
        %get3A_592 = arith.constant 992 : index
        %get3A_593 = tpu.vector_load %arg4[%get3A_591, %get3A_592] {strides = array<i32>} : memref<64x1024xf32, #tpu.memory_space<vmem>>, vector<16xf32>,
        %lt3A_594 = arith.cmpf olt, %get3A_593, %select_n3A_531 : vector<16xf32>
        %select_n3A_595 = arith.select %lt3A_594, %get3A_593, %select_n3A_531 : vector<16xi1>, vector<16xf32>
        %broadcast_in_dim3A_596 = arith.constant 62 : i32
        %broadcast_in_dim3A_597 = vector.broadcast %broadcast_in_dim3A_596 : i32 to vector<16xi32>
        %select_n3A_598 = arith.select %lt3A_594, %broadcast_in_dim3A_597, %select_n3A_534 : vector<16xi1>, vector<16xi32>
        %get3A_599 = arith.index_cast %add3A_96 : i32 to index
        %get3A_600 = arith.constant 1008 : index
        %get3A_601 = tpu.vector_load %arg4[%get3A_599, %get3A_600] {strides = array<i32>} : memref<64x1024xf32, #tpu.memory_space<vmem>>, vector<16xf32>,
        %lt3A_602 = arith.cmpf olt, %get3A_601, %select_n3A_539 : vector<16xf32>
        %select_n3A_603 = arith.select %lt3A_602, %get3A_601, %select_n3A_539 : vector<16xi1>, vector<16xf32>
        %broadcast_in_dim3A_604 = arith.constant 63 : i32
        %broadcast_in_dim3A_605 = vector.broadcast %broadcast_in_dim3A_604 : i32 to vector<16xi32>
        %select_n3A_606 = arith.select %lt3A_602, %broadcast_in_dim3A_605, %select_n3A_542 : vector<16xi1>, vector<16xi32>
        %lt3A_607 = arith.cmpf olt, %select_n3A_555, %select_n3A_547 : vector<16xf32>
        %eq3A = arith.cmpf oeq, %select_n3A_555, %select_n3A_547 : vector<16xf32>
        %lt3A_608 = arith.cmpi slt, %select_n3A_558, %select_n3A_550 : vector<16xi32>
        %and3A = arith.andi %eq3A, %lt3A_608 : vector<16xi1>
        %or3A = arith.ori %lt3A_607, %and3A : vector<16xi1>
        %select_n3A_609 = arith.select %or3A, %select_n3A_555, %select_n3A_547 : vector<16xi1>, vector<16xf32>
        %select_n3A_610 = arith.select %or3A, %select_n3A_558, %select_n3A_550 : vector<16xi1>, vector<16xi32>
        %lt3A_611 = arith.cmpf olt, %select_n3A_571, %select_n3A_563 : vector<16xf32>
        %eq3A_612 = arith.cmpf oeq, %select_n3A_571, %select_n3A_563 : vector<16xf32>
        %lt3A_613 = arith.cmpi slt, %select_n3A_574, %select_n3A_566 : vector<16xi32>
        %and3A_614 = arith.andi %eq3A_612, %lt3A_613 : vector<16xi1>
        %or3A_615 = arith.ori %lt3A_611, %and3A_614 : vector<16xi1>
        %select_n3A_616 = arith.select %or3A_615, %select_n3A_571, %select_n3A_563 : vector<16xi1>, vector<16xf32>
        %select_n3A_617 = arith.select %or3A_615, %select_n3A_574, %select_n3A_566 : vector<16xi1>, vector<16xi32>
        %lt3A_618 = arith.cmpf olt, %select_n3A_587, %select_n3A_579 : vector<16xf32>
        %eq3A_619 = arith.cmpf oeq, %select_n3A_587, %select_n3A_579 : vector<16xf32>
        %lt3A_620 = arith.cmpi slt, %select_n3A_590, %select_n3A_582 : vector<16xi32>
        %and3A_621 = arith.andi %eq3A_619, %lt3A_620 : vector<16xi1>
        %or3A_622 = arith.ori %lt3A_618, %and3A_621 : vector<16xi1>
        %select_n3A_623 = arith.select %or3A_622, %select_n3A_587, %select_n3A_579 : vector<16xi1>, vector<16xf32>
        %select_n3A_624 = arith.select %or3A_622, %select_n3A_590, %select_n3A_582 : vector<16xi1>, vector<16xi32>
        %lt3A_625 = arith.cmpf olt, %select_n3A_603, %select_n3A_595 : vector<16xf32>
        %eq3A_626 = arith.cmpf oeq, %select_n3A_603, %select_n3A_595 : vector<16xf32>
        %lt3A_627 = arith.cmpi slt, %select_n3A_606, %select_n3A_598 : vector<16xi32>
        %and3A_628 = arith.andi %eq3A_626, %lt3A_627 : vector<16xi1>
        %or3A_629 = arith.ori %lt3A_625, %and3A_628 : vector<16xi1>
        %select_n3A_630 = arith.select %or3A_629, %select_n3A_603, %select_n3A_595 : vector<16xi1>, vector<16xf32>
        %select_n3A_631 = arith.select %or3A_629, %select_n3A_606, %select_n3A_598 : vector<16xi1>, vector<16xi32>
        %lt3A_632 = arith.cmpf olt, %select_n3A_616, %select_n3A_609 : vector<16xf32>
        %eq3A_633 = arith.cmpf oeq, %select_n3A_616, %select_n3A_609 : vector<16xf32>
        %lt3A_634 = arith.cmpi slt, %select_n3A_617, %select_n3A_610 : vector<16xi32>
        %and3A_635 = arith.andi %eq3A_633, %lt3A_634 : vector<16xi1>
        %or3A_636 = arith.ori %lt3A_632, %and3A_635 : vector<16xi1>
        %select_n3A_637 = arith.select %or3A_636, %select_n3A_616, %select_n3A_609 : vector<16xi1>, vector<16xf32>
        %select_n3A_638 = arith.select %or3A_636, %select_n3A_617, %select_n3A_610 : vector<16xi1>, vector<16xi32>
        %lt3A_639 = arith.cmpf olt, %select_n3A_630, %select_n3A_623 : vector<16xf32>
        %eq3A_640 = arith.cmpf oeq, %select_n3A_630, %select_n3A_623 : vector<16xf32>
        %lt3A_641 = arith.cmpi slt, %select_n3A_631, %select_n3A_624 : vector<16xi32>
        %and3A_642 = arith.andi %eq3A_640, %lt3A_641 : vector<16xi1>
        %or3A_643 = arith.ori %lt3A_639, %and3A_642 : vector<16xi1>
        %select_n3A_644 = arith.select %or3A_643, %select_n3A_630, %select_n3A_623 : vector<16xi1>, vector<16xf32>
        %select_n3A_645 = arith.select %or3A_643, %select_n3A_631, %select_n3A_624 : vector<16xi1>, vector<16xi32>
        %lt3A_646 = arith.cmpf olt, %select_n3A_644, %select_n3A_637 : vector<16xf32>
        %eq3A_647 = arith.cmpf oeq, %select_n3A_644, %select_n3A_637 : vector<16xf32>
        %lt3A_648 = arith.cmpi slt, %select_n3A_645, %select_n3A_638 : vector<16xi32>
        %and3A_649 = arith.andi %eq3A_647, %lt3A_648 : vector<16xi1>
        %or3A_650 = arith.ori %lt3A_646, %and3A_649 : vector<16xi1>
        %select_n3A_651 = arith.select %or3A_650, %select_n3A_644, %select_n3A_637 : vector<16xi1>, vector<16xf32>
        %select_n3A_652 = arith.select %or3A_650, %select_n3A_645, %select_n3A_638 : vector<16xi1>, vector<16xi32>
        %mul3A_653 = arith.constant 16 : i32
        %mul3A_654 = vector.broadcast %mul3A_653 : i32 to vector<16xi32>
        %mul3A_655 = arith.muli %select_n3A_652, %mul3A_654 : vector<16xi32>
        %add3A_656 = arith.addi %mul3A_655, %iota3A : vector<16xi32>
        %reduce_min3A = arith.constant true
        %reduce_min3A_657 = vector.broadcast %reduce_min3A : i1 to vector<16xi1>
        %reduce_min3A_658 = tpu.scan <min>, %select_n3A_651 masked %reduce_min3A_657 : vector<16xf32>, vector<16xi1> -> vector<16xf32>
        %reduce_min3A_659 = vector.extract %reduce_min3A_658[15] : f32 from vector<16xf32>
        %eq3A_660 = vector.broadcast %reduce_min3A_659 : f32 to vector<16xf32>
        %eq3A_661 = arith.cmpf oeq, %select_n3A_651, %eq3A_660 : vector<16xf32>
        %jit3A = arith.constant 1024 : i32
        %broadcast_in_dim3A_662 = vector.broadcast %jit3A : i32 to vector<16xi32>
        %select_n3A_663 = arith.select %eq3A_661, %add3A_656, %broadcast_in_dim3A_662 : vector<16xi1>, vector<16xi32>
        %reduce_min3A_664 = arith.constant true
        %reduce_min3A_665 = vector.broadcast %reduce_min3A_664 : i1 to vector<16xi1>
        %reduce_min3A_666 = arith.constant -2147483648 : i32
        %reduce_min3A_667 = vector.broadcast %reduce_min3A_666 : i32 to vector<16xi32>
        %reduce_min3A_668 = arith.xori %select_n3A_663, %reduce_min3A_667 : vector<16xi32>
        %reduce_min3A_669 = tpu.scan <min>, %reduce_min3A_668 masked %reduce_min3A_665 : vector<16xi32>, vector<16xi1> -> vector<16xi32>
        %reduce_min3A_670 = arith.xori %reduce_min3A_669, %reduce_min3A_667 : vector<16xi32>
        %reduce_min3A_671 = vector.extract %reduce_min3A_670[15] : i32 from vector<16xi32>
        %and3A_672 = arith.constant 15 : i32
        %and3A_673 = arith.andi %scan3A_93, %and3A_672 : i32
        %eq3A_674 = vector.broadcast %and3A_673 : i32 to vector<16xi32>
        %eq3A_675 = arith.cmpi eq, %iota3A, %eq3A_674 : vector<16xi32>
        %broadcast_in_dim3A_676 = vector.broadcast %reduce_min3A_671 : i32 to vector<16xi32>
        %select_n3A_677 = arith.select %eq3A_675, %broadcast_in_dim3A_676, %scan3A_94 : vector<16xi1>, vector<16xi32>
        %and3A_678 = arith.constant 15 : i32
        %and3A_679 = arith.andi %scan3A_93, %and3A_678 : i32
        %eq3A_680 = arith.constant 15 : i32
        %eq3A_681 = arith.cmpi eq, %and3A_679, %eq3A_680 : i32
        %convert_element_type3A_682 = arith.extui %eq3A_681 : i1 to i32
        %cond3A_683 = arith.constant 0 : i32
        %cond3A_684 = arith.cmpi ne, %convert_element_type3A_682, %cond3A_683 : i32
        scf.if %cond3A_684 {
          %mul3A_685 = arith.constant 32 : i32
          %mul3A_686 = arith.muli %add3A_66, %mul3A_685 : i32
          %and3A_687 = arith.constant -16 : i32
          %and3A_688 = arith.andi %scan3A_93, %and3A_687 : i32
          %add3A_689 = arith.addi %mul3A_686, %and3A_688 : i32
          %swap3A = arith.index_cast %add3A_689 : i32 to index
          %swap3A_690 = tpu.vector_load %arg5[%swap3A] {strides = array<i32>} : memref<384xi32, #tpu.memory_space<vmem>>, vector<16xi32>,
          tpu.vector_store %arg5[%swap3A], %select_n3A_677 {strides = array<i32>} : memref<384xi32, #tpu.memory_space<vmem>>, vector<16xi32>,
        } else {
        }
        scf.yield %select_n3A_677 : vector<16xi32>
      }
      %scan3A_85 = arith.constant 32 : i32
      %add3A_86 = arith.constant 2 : i32
      %add3A_87 = arith.addi %add3A_66, %add3A_86 : i32
      %lt3A_88 = arith.constant 12 : i32
      %lt3A_89 = arith.cmpi slt, %add3A_87, %lt3A_88 : i32
      %convert_element_type3A_90 = arith.extui %lt3A_89 : i1 to i32
      %cond3A_91 = arith.constant 0 : i32
      %cond3A_92 = arith.cmpi ne, %convert_element_type3A_90, %cond3A_91 : i32
      scf.if %cond3A_92 {
        %add3A_93 = arith.constant 2 : i32
        %add3A_94 = arith.addi %add3A_66, %add3A_93 : i32
        %mul3A_95 = arith.constant 32 : i32
        %mul3A_96 = arith.muli %add3A_94, %mul3A_95 : i32
        %add3A_97 = arith.addi %add3A_4, %mul3A_96 : i32
        %dma_start3A_98 = arith.constant 32 : i32
        %dma_start3A_99 = arith.constant 0 : i32
        %dma_start3A_100 = tpu.memref_slice %arg4[%dma_start3A_98, %dma_start3A_99] : memref<64x1024xf32, #tpu.memory_space<vmem>> -> memref<32x1024xf32, #tpu.memory_space<vmem>>
        %dma_start3A_101 = arith.constant 0 : i32
        %dma_start3A_102 = tpu.memref_slice %arg2[%add3A_97, %dma_start3A_101] : memref<32768x1024xf32, #tpu.memory_space<hbm>> -> memref<32x1024xf32, #tpu.memory_space<hbm>>
        %dma_start3A_103 = arith.constant 32 : i32
        %dma_start3A_104 = arith.constant 0 : i32
        %dma_start3A_105 = tpu.memref_slice %arg4[%dma_start3A_103, %dma_start3A_104] : memref<64x1024xf32, #tpu.memory_space<vmem>> -> memref<32x1024xf32, #tpu.memory_space<vmem>>
        %dma_start3A_106 = arith.constant 0 : i32
        %dma_start3A_107 = tpu.memref_slice %arg2[%add3A_97, %dma_start3A_106] : memref<32768x1024xf32, #tpu.memory_space<hbm>> -> memref<32x1024xf32, #tpu.memory_space<hbm>>
        tpu.enqueue_dma source(%dma_start3A_107 : memref<32x1024xf32, #tpu.memory_space<hbm>>) target(%dma_start3A_105 : memref<32x1024xf32, #tpu.memory_space<vmem>>) target_semaphore(%arg7 : memref<!tpu.dma_semaphore, #tpu.memory_space<semaphore_mem>>)
      } else {
      }
    }
    %scan3A_35 = arith.constant 6 : i32
    %mul3A_36 = arith.constant 384 : i32
    %mul3A_37 = arith.muli %add3A, %mul3A_36 : i32
    "tpu.region"() ({
      %run_scoped3A = tpu.sem_alloc : memref<!tpu.dma_semaphore, #tpu.memory_space<semaphore_mem>>
      %dma_start3A_38 = tpu.memref_slice %arg3[%mul3A_37] : memref<12288xi32, #tpu.memory_space<hbm>> -> memref<384xi32, #tpu.memory_space<hbm>>
      %dma_start3A_39 = tpu.memref_slice %arg3[%mul3A_37] : memref<12288xi32, #tpu.memory_space<hbm>> -> memref<384xi32, #tpu.memory_space<hbm>>
      tpu.enqueue_dma source(%arg5 : memref<384xi32, #tpu.memory_space<vmem>>) target(%dma_start3A_39 : memref<384xi32, #tpu.memory_space<hbm>>) target_semaphore(%run_scoped3A : memref<!tpu.dma_semaphore, #tpu.memory_space<semaphore_mem>>)
      %dma_wait3A = tpu.memref_slice %arg3[%mul3A_37] : memref<12288xi32, #tpu.memory_space<hbm>> -> memref<384xi32, #tpu.memory_space<hbm>>
      %dma_wait3A_40 = tpu.memref_slice %arg3[%mul3A_37] : memref<12288xi32, #tpu.memory_space<hbm>> -> memref<384xi32, #tpu.memory_space<hbm>>
      tpu.wait_dma2 semaphore(%run_scoped3A : memref<!tpu.dma_semaphore, #tpu.memory_space<semaphore_mem>>) src(%arg5 : memref<384xi32, #tpu.memory_space<vmem>>) dst(%dma_wait3A_40 : memref<384xi32, #tpu.memory_space<hbm>>)
      tpu.yield
    }) : () -> ()
    return
  }
}

module attributes {stable_mosaic.version = 14 : i64} {
  func.func @_tc_body(%arg0: i32, %arg1: memref<2048x1024xf32, #tpu.memory_space<vmem>>, %arg2: memref<2048xi32, #tpu.memory_space<vmem>>) attributes {dimension_semantics = [#tpu.dimension_semantics<arbitrary>], iteration_bounds = array<i64: 10>, scalar_prefetch = 0 : i64, scratch_operands = 0 : i64, tpu.core_type = #tpu.core_type<tc>, window_params = [{transform_indices = @transform_0, window_bounds = array<i64: 2048, 1024>}, {transform_indices = @transform_1, window_bounds = array<i64: 2048>}]} {
    %get3A = arith.constant 0 : index
    %get3A_0 = arith.constant 0 : index
    %get3A_1 = vector.load %arg1[%get3A, %get3A_0] : memref<2048x1024xf32, #tpu.memory_space<vmem>>, vector<2048x1024xf32>
    %reduce_min3A = arith.constant dense<0x7F800000> : vector<2048xf32>
    %reduce_min3A_2 = vector.multi_reduction <minimumf>, %get3A_1, %reduce_min3A [1] : vector<2048x1024xf32> to vector<2048xf32>
    %broadcast_in_dim3A = vector.shape_cast %reduce_min3A_2 : vector<2048xf32> to vector<2048x1xf32>
    %iota3A = tpu.iota {dimensions = array<i32: 1>} : vector<2048x1024xi32>
    %convert_element_type3A = arith.sitofp %iota3A : vector<2048x1024xi32> to vector<2048x1024xf32>
    %eq3A = vector.broadcast %broadcast_in_dim3A : vector<2048x1xf32> to vector<2048x1024xf32>
    %eq3A_3 = arith.cmpf oeq, %get3A_1, %eq3A : vector<2048x1024xf32>
    %jit3A = arith.constant 1.024000e+03 : f32
    %broadcast_in_dim3A_4 = vector.broadcast %jit3A : f32 to vector<2048x1024xf32>
    %select_n3A = arith.select %eq3A_3, %convert_element_type3A, %broadcast_in_dim3A_4 : vector<2048x1024xi1>, vector<2048x1024xf32>
    %reduce_min3A_5 = arith.constant dense<0x7F800000> : vector<2048xf32>
    %reduce_min3A_6 = vector.multi_reduction <minimumf>, %select_n3A, %reduce_min3A_5 [1] : vector<2048x1024xf32> to vector<2048xf32>
    %convert_element_type3A_7 = arith.fptosi %reduce_min3A_6 : vector<2048xf32> to vector<2048xi32>
    %swap3A = arith.constant 0 : index
    %swap3A_8 = vector.load %arg2[%swap3A] : memref<2048xi32, #tpu.memory_space<vmem>>, vector<2048xi32>
    tpu.vector_store %arg2[%swap3A], %convert_element_type3A_7 {strides = array<i32>} : memref<2048xi32, #tpu.memory_space<vmem>>, vector<2048xi32>,
    return
  }
  func.func @transform_0(%arg0: i32) -> (i32, i32) {
    %c0_i32 = arith.constant 0 : i32
    %c0_i32_0 = arith.constant 0 : i32
    return %arg0, %c0_i32 : i32, i32
  }
  func.func @transform_1(%arg0: i32) -> i32 {
    %c0_i32 = arith.constant 0 : i32
    return %arg0 : i32
  }
}

</mosaic_0001>

<sc_bundles>
// kernel: kernel.4.cloned.1.call-start
scs
__scs_entry_jumppad:
0x0: {  	(pc) =	sbr.rel $0x88, $3  }
0x1: {  	(tag) =	ssettag $0x0;
	lr =	simm.s32 $0x1  }
0x2: {  	[smem:$0x3FA0] =	sst lr;
	_ =	strace $0xD0000000  }
0x3: {  	_ = 	snop  }
0x4: {  	_ = 	snop  }
0x5: {  	_ = 	snop  }
0x6: {  	_ = 	snop  }
0x7: {  	_ = 	snop  }
__scs_overlays_trampoline_lowered:
0x8: {  	[smem:$0x3FAF] =	sst s0  }
0x9: {  	[smem:$0x3FB0] =	sst s1  }
0xa: {  	[smem:$0x3FB1] =	sst s2  }
0xb: {  	[smem:$0x3FB2] =	sst s3  }
0xc: {  	[smem:$0x3FB3] =	sst s4  }
0xd: {  	[smem:$0x3FB4] =	sst s5  }
0xe: {  	[smem:$0x3FB5] =	sst s6  }
0xf: {  	[smem:$0x3FB6] =	sst s7  }
0x10: {  	[smem:$0x3FB7] =	sst s8  }
0x11: {  	[smem:$0x3FB8] =	sst s9;
	s0 =	simm.s32 @!p0 $0x0  }
0x12: {  	s1 =	sld [smem:$0x3F9E];
	s0 =	simm.s32 @p0 $0x1  }
0x13: {  	[smem:$0x3FB9] =	sst s0;
	s0 =	simm.s32 @!p1 $0x0  }
0x14: {  	s2 =	sld [smem:$0x3F9D];
	s0 =	simm.s32 @p1 $0x1  }
0x15: {  	[smem:$0x3FBA] =	sst s0;
	s0 =	simm.s32 @!p2 $0x0  }
0x16: {  	s3 =	sld [smem:$0x3FDB];
	s0 =	simm.s32 @p2 $0x1  }
0x17: {  	s4 =	simm.s32 $0x1BF5;
	[smem:$0x3FBC] =	sst s0  }
0x18: {  	s0 =	sld [smem:$0x3F9F];
	_ =	swait.ge [sflag:s4], $0x0  }
0x19: {  	s7 =	sld [smem:$0x3FA0]  }
0x1a: {  	s8 =	sadd.s32 $0xFFFFE003, lr  }
0x1b: {  	s9 =	sadd.s32 $0xFFFFFEF7, lr;
	s5 =	simm.s32 $0xFFFFFFFF;
	p2 =	slt.u32 s8, $0xFFFFF086  }
0x1c: {  	p1 =	slt.u32 s9, $0xF7A;
	s5 =	simm.s32 @!p2 $0x0  }
0x1d: {  	s5 =	simm.s32 @p1 $0x1;
	p0 =	seq.s32 s7, s2  }
0x1e: {  	s7 =	smul.u32 @!p0 $0xF7A, s2;
	p2 =	seq.s32 @!p0 s5, $0x0  }
0x1f: {  	s9 =	smul.u32 $0xF7A, s1;
	s8 =	simm.s32 @!p0 $0x1BF5;
	p2 =	por !p2, p0  }
0x20: {  	[sflag:s8] =	ssyncset.s32 @!p0 $0xFFFFF086;
	s6 =	sadd.s32 @!p0 s3, s7;
	s7 =	simm.s32 @!p0 $0x108  }
0x21: {  	s3 =	sadd.s32 s3, s9;
	s6 =	sadd.s32 @!p0 $0x88, s6;
	s7 =	simm.s32 @p2 $0x1082  }
0x22: {  	[simem:s7], [sflag:s8] =	dma.local @!p0 [hbm:s6], $0xF7A  }
0x23: {  	s9 =	sor.u32 $0xD0000000, s2;
	s6 =	simm.s32 $0x108;
	_ =	swait.ge @!p0 [sflag:s8], $0x0  }
0x24: {  	s3 =	sadd.s32 $0x88, s3;
	s6 =	simm.s32 @!p1 $0x1082;
	[sflag:s4] =	ssyncset.s32 $0xFFFFF086  }
0x25: {  	[simem:s6], [sflag:s4] =	dma.local [hbm:s3], $0xF7A  }
0x26: {  	[smem:$0x3FA0] =	sst s1;
	(tag) =	ssettag s2;
	_ =	strace s9  }
0x27: {  	s1 =	sld [smem:$0x3FB0]  }
0x28: {  	s2 =	sld [smem:$0x3FB1]  }
0x29: {  	s4 =	sld [smem:$0x3FB3]  }
0x2a: {  	p0 =	seq.s32 s5, $0x0;
	s5 =	sld [smem:$0x3FB4]  }
0x2b: {  	s6 =	sld [smem:$0x3FB5]  }
0x2c: {  	s7 =	sld [smem:$0x3FB6]  }
0x2d: {  	s3 =	simm.s32 $0x108;
	s8 =	sld [smem:$0x3FB7]  }
0x2e: {  	s3 =	simm.s32 @!p0 $0x1082;
	s9 =	sld [smem:$0x3FB8]  }
0x2f: {  	lr =	sadd.s32 s0, s3;
	s0 =	sld [smem:$0x3FAF]  }
0x30: {  	s3 =	sld [smem:$0x3FB2]  }
0x31: {  	[smem:$0x3FBB] =	sst s10  }
0x32: {  	s10 =	sld [smem:$0x3FB9];
	_ =	sdelay $0x3  }
0x33: {  	p0 =	seq.s32 s10, $0x1;
	s10 =	sld [smem:$0x3FBB];
	_ =	sdelay $0x3  }
0x34: {  	[smem:$0x3FBB] =	sst s10  }
0x35: {  	s10 =	sld [smem:$0x3FBA];
	_ =	sdelay $0x3  }
0x36: {  	p1 =	seq.s32 s10, $0x1;
	s10 =	sld [smem:$0x3FBB];
	_ =	sdelay $0x3  }
0x37: {  	[smem:$0x3FBB] =	sst s10  }
0x38: {  	s10 =	sld [smem:$0x3FBC]  }
0x39: {  	_ = 	snop;
	(pc) =	sbr.ind lr, $3  }
0x3a: {  	_ = 	snop  }
0x3b: {  	_ = 	snop  }
0x3c: {  	p2 =	seq.s32 s10, $0x1;
	s10 =	sld [smem:$0x3FBB]  }
0x3d: {  	_ =	shalt  }
0x3e: {  	_ =	shalt  }
0x3f: {  	_ =	shalt  }
0x40: {  	_ =	shalt  }
0x41: {  	_ =	shalt  }
0x42: {  	_ =	shalt  }
0x43: {  	_ =	shalt  }
0x44: {  	_ =	shalt  }
0x45: {  	_ =	shalt  }
0x46: {  	_ =	shalt  }
0x47: {  	_ =	shalt  }
0x48: {  	_ =	shalt  }
0x49: {  	_ =	shalt  }
0x4a: {  	_ =	shalt  }
0x4b: {  	_ =	shalt  }
0x4c: {  	_ =	shalt  }
0x4d: {  	_ =	shalt  }
0x4e: {  	_ =	shalt  }
0x4f: {  	_ =	shalt  }
0x50: {  	_ =	shalt  }
0x51: {  	_ =	shalt  }
0x52: {  	_ =	shalt  }
0x53: {  	_ =	shalt  }
0x54: {  	_ =	shalt  }
0x55: {  	_ =	shalt  }
0x56: {  	_ =	shalt  }
0x57: {  	_ =	shalt  }
0x58: {  	_ =	shalt  }
0x59: {  	_ =	shalt  }
0x5a: {  	_ =	shalt  }
0x5b: {  	_ =	shalt  }
0x5c: {  	_ =	shalt  }
0x5d: {  	_ =	shalt  }
0x5e: {  	_ =	shalt  }
0x5f: {  	_ =	shalt  }
0x60: {  	_ =	shalt  }
0x61: {  	_ =	shalt  }
0x62: {  	_ =	shalt  }
0x63: {  	_ =	shalt  }
0x64: {  	_ =	shalt  }
0x65: {  	_ =	shalt  }
0x66: {  	_ =	shalt  }
0x67: {  	_ =	shalt  }
0x68: {  	_ =	shalt  }
0x69: {  	_ =	shalt  }
0x6a: {  	_ =	shalt  }
0x6b: {  	_ =	shalt  }
0x6c: {  	_ =	shalt  }
0x6d: {  	_ =	shalt  }
0x6e: {  	_ =	shalt  }
0x6f: {  	_ =	shalt  }
0x70: {  	_ =	shalt  }
0x71: {  	_ =	shalt  }
0x72: {  	_ =	shalt  }
0x73: {  	_ =	shalt  }
0x74: {  	_ =	shalt  }
0x75: {  	_ =	shalt  }
0x76: {  	_ =	shalt  }
0x77: {  	_ =	shalt  }
0x78: {  	_ =	shalt  }
0x79: {  	_ =	shalt  }
0x7a: {  	_ =	shalt  }
0x7b: {  	_ =	shalt  }
0x7c: {  	_ =	shalt  }
0x7d: {  	_ =	shalt  }
0x7e: {  	_ =	shalt  }
0x7f: {  	_ =	shalt  }
0x80: {  	_ =	shalt  }
0x81: {  	_ =	shalt  }
0x82: {  	_ =	shalt  }
0x83: {  	_ =	shalt  }
0x84: {  	_ =	shalt  }
0x85: {  	_ =	shalt  }
0x86: {  	_ =	shalt  }
0x87: {  	_ =	shalt  }
.Lfunc_end0:
.L_simem_size_0:
called_computation_lowered:
.L_overlay_start_0:
0x88: {  	s2 =	sld [smem:$0x3FD9]  }
0x89: {  	s3 =	sld [smem:$0x3FFE];
	_ =	sdelay $0x1  }
0x8a: {  	s1 =	srdreg.scid  }
0x8b: {  	s0 =	sand.u32 $0x1, s1  }
0x8c: {  	s18 =	sshll.u32 s0, $0xA;
	s2 =	sadd.s32 s3, s2  }
0x8d: {  	s2 =	sadd.s32 s2, s18  }
0x8e: {  	[smem:$0x3FC7] =	sst s2  }
0x8f: {  	_ = 	snop  }
0x90: {  	s2 =	sld [smem:$0x3FC9]  }
0x91: {  	s19 =	sld [smem:$0x3FD0];
	(tm) =	ssettm $0x1  }
0x92: {  	s4 =	sld [smem:$0x3FFB];
	_ =	sdelay $0x3  }
0x93: {  	_ =	strace s4  }
0x94: {  	s4 =	sld [smem:$0x3FFC];
	_ =	sdelay $0x3  }
0x95: {  	_ =	strace s4  }
0x96: {  	s4 =	sld [smem:$0x3FFD];
	_ =	sdelay $0x3  }
0x97: {  	_ =	strace s4  }
0x98: {  	_ =	strace $0x8FFFFFFF  }
0x99: {  	s20 =	sld [smem:$0x3FDB];
	_ =	sdelay $0x1  }
0x9a: {  	s5 =	simm.s32 $_scs_section_size  }
0x9b: {  	s6 =	simm.s32 $_size__tile_overlayer_lowered;
	s7 =	simm.s32 $_tile_overlayer_lowered  }
0x9c: {  	s23 =	simm.s32 $0x1BFF;
	s22 =	sshll.u32 s7, $0x1;
	s4 =	sadd.s32 s5, s20  }
0x9d: {  	s8 =	simm.s32 $0x0;
	s21 =	sshll.u32 s6, $0x1;
	s6 =	sadd.s32 s22, s4  }
0x9e: {  	[timem:s8], [sflag:s23] =	dma.local [hbm:s6], s21  }
0x9f: {  	_ =	swait.ge [sflag:s23], s21  }
0xa0: {  	s5 =	ssub.s32 $0x0, s21;
	[sflag:s23] =	ssyncset.done $0x0  }
0xa1: {  	[sflag:s23] =	ssyncadd.s32 s5;
	_ =	sdelay $0x1  }
0xa2: {  	s24 =	simm.s32 $0x1B8B  }
0xa3: {  	_ =	swait.ge [sflag:s24], $0x1  }
0xa4: {  	[sflag:s24] =	ssyncset.done $0x0  }
0xa5: {  	s25 =	simm.s32 $0x1B8E;
	[sflag:s24] =	ssyncadd.s32 $0xFFFFFFFF  }
0xa6: {  	s26 =	simm.s32 $execute0_lowered;
	[smem:$0x3FD2] =	sst s25  }
0xa7: {  	s5 =	sshll.u32 s26, $0x1;
	_ =	strace $0x80000046;
	[dreg:$0x1] =	wrdreg $0xFFFFFFFF  }
0xa8: {  	s28 =	simm.s32 $_size_execute0_lowered;
	s4 =	sadd.s32 s4, s5;
	[dreg:$0x0] =	wrdreg $0x0  }
0xa9: {  	s5 =	sshll.u32 s28, $0x1;
	[dreg:$0x2] =	wrdreg s4  }
0xaa: {  	[dreg:$0x3] =	wrdreg s5  }
0xab: {  	[dreg:$0x4] =	wrdreg $0xC0  }
0xac: {  	_ =	task [dreg:s8], $0x5FFFF  }
0xad: {  	[dreg:$0x1] =	wrdreg $0xFFFFFFFF  }
0xae: {  	[dreg:$0x0] =	wrdreg $0x60  }
0xaf: {  	[dreg:$0x2] =	wrdreg s2  }
0xb0: {  	[dreg:$0x3] =	wrdreg s19  }
0xb1: {  	[dreg:$0x4] =	wrdreg $0x9  }
0xb2: {  	_ =	task.clear_ibuf [dreg:s8], $0x5FFFF;
	_ =	strace $0x90000046  }
0xb3: {  	s29 =	simm.s32 $0x9;
	_ =	strace $0x80000048  }
0xb4: {  	_ =	swait.ge [sflag:s29], $0x1  }
0xb5: {  	[sflag:s29] =	ssyncadd.s32 $0xFFFFFFFF  }
0xb6: {  	_ =	strace $0x90000048  }
0xb7: {  	_ =	sfence  }
0xb8: {  	s30 =	sld [smem:$0x0];
	_ =	sdelay $0x2  }
0xb9: {  	s31 =	sshll.u32 s1, $0xD;
	s1 =	sshrl.u32 s1, $0x2  }
0xba: {  	s3 =	sand.u32 $0x4000, s31;
	s1 =	sadd.s32 s1, s30  }
0xbb: {  	s0 =	sor.u32 s3, s0;
	s1 =	sshll.u32 s1, $0x11  }
0xbc: {  	s0 =	sor.u32 s1, s0  }
0xbd: {  	s0 =	sadd.s32 $0x8F2B, s0  }
0xbe: {  	[sflag:s0] =	ssyncadd.remote.s32 $0x1  }
0xbf: {  	_ =	sfence.sel $0xFFFF  }
0xc0: {  	[dreg:$0x0] =	wrdreg $0xFFFFFFFF;
	(pc) =	sbr.abs _section_cstart, $3  }
0xc1: {  	[dreg:$0x1] =	wrdreg $0xFFFFFFFF  }
0xc2: {  	_ =	task.clear_ibuf [dreg:s8], $0x2FFFF;
	_ =	strace $0x9FFFFFFF  }
0xc3: {  	(tm) =	ssettm $0x7FFFFFFF  }
tec
execute0_lowered:
.L_overlay_start_1:
0x0: {  	(tag) =	ssettag $0x1  }
0x1: {  	s3 =	rddreg [dreg:$0x0]  }
0x2: {  	s1 =	srdreg.scid;
	s0 =	stileid.u32  }
0x3: {  	s7 =	rddreg [dreg:$0x1];
	s4 =	sand.u32 $0x1, s1;
	s2 =	sshll.u32 s0, $0x1  }
0x4: {  	s10 =	simm.s32 $0x1;
	s11 =	simm.s32 $0x2;
	s5 =	sor.u32 s4, s2  }
0x5: {  	s12 =	simm.s32 $0x10000;
	s13 =	simm.s32 $0x3;
	s6 =	smul.u32 $0x60000, s5  }
0x6: {  	s14 =	simm.s32 $0x0;
	s1 =	rddreg [dreg:$0x2];
	s9 =	smul.u32 $0xC000, s5  }
0x7: {  	s2 =	simm.s32 $0x0;
	s4 =	ssub.s32 $0x2, s4;
	s31 =	smul.u32 $0x30, s5  }
.Ltmp0:
0x8: {  	[smem:$0x7FF] =	sst s2;
	s8 =	sshrl.u32 s4, $0x1;
	(pc) =	sbr.rel .LBB2_1-.Ltmp0, $4  }
0x9: {  	_ =	strace $0x80000047;
	s8 =	ssub.s32 s4, s8;
	s29 =	sshrl.u32 s6, $0x3  }
0xa: {  	s30 =	sadd.s32 s3, s9;
	s7 =	sadd.s32 s7, s31;
	s8 =	smax.u32 s8, $0x1  }
0xb: {  	v0 =	vlaneseq.u32;
	s9 =	simm.s32 $0x8000;
	s4 =	sadd.s32 s3, s29;
	s3 =	sadd.s32 $0x280000, s30  }
0xc: {  	v1 =	vimm.s32 $0x0;
	v2 =	vor.u32 $0x80000000, v0;
	s5 =	sadd.s32 $0x282000, s30;
	s6 =	sadd.s32 $0x283000, s30;
	s4 =	sadd.s32 $0x281000, s4  }
.LBB2_8:
0xd: {  	s14 =	sadd.s32 $0x1, s14  }
0xe: {  	p0 =	sne.s32 s14, s8  }
.Ltmp1:
0xf: {  	_ = 	snop;
	(pc) =	sbr.rel @!p0 .LBB2_9-.Ltmp1, $4  }
0x10: {  	[hbm4b:s7+s2] =	stream.linear.scatter [tilespmem:s12], [sflag:$0x3], $0x180, $0x38;
	[tilespmem:$0x10180] =	vst v63  }
0x11: {  	_ =	swait.ge [sflag:s13], $0x180  }
0x12: {  	[sflag:s13] =	ssyncset.done $0x0  }
0x13: {  	[sflag:s13] =	ssyncadd.s32 $0xFFFFFE80  }
.LBB2_1:
0x14: {  	[tilespmem:s2], [sflag:$0x1] =	stream.linear.gather [hbm4b:s3+s2], $0x8000, $0x38;
	[tilespmem:$0x10180] =	vst v63  }
0x15: {  	s15 =	simm.s32 $0x0  }
0x16: {  	[tilespmem:s9], [sflag:$0x2] =	stream.linear.gather [hbm4b:s4+s2], $0x8000, $0x38;
	[tilespmem:$0x10180] =	vst v63  }
.LBB2_2:
0x17: {  	_ =	swait.ge [sflag:s10], $0x8000;
	s17 =	simm.s32 $0x0  }
0x18: {  	[sflag:s10] =	ssyncset.done $0x0;
	s16 =	sand.u32 $0x6000, s17;
	s18 =	sand.u32 $0x380, s17  }
0x19: {  	[sflag:s10] =	ssyncadd.s32 $0xFFFF8000;
	s16 =	sor.u32 s18, s16  }
0x1a: {  	v3 =	vld [tilespmem:s16+$0x0]  }
0x1b: {  	v4 =	vld [tilespmem:s16+$0x10]  }
0x1c: {  	v5 =	vld [tilespmem:s16+$0x20]  }
0x1d: {  	v6 =	vld [tilespmem:s16+$0x30]  }
0x1e: {  	v20 =	vld [tilespmem:s16+$0x60]  }
0x1f: {  	v25 =	vld [tilespmem:s16+$0x50];
	_ =	sdelay $0x2  }
0x20: {  	vm0 =	vlt.f32 v3, $+Inf;
	vm1 =	vlt.f32 v4, $+Inf  }
0x21: {  	v7 =	vld [tilespmem:s16+$0x400];
	vm2 =	vgt.f32 v4, $+Inf;
	vm3 =	vlt.f32 v5, $+Inf;
	vm4 =	vgt.f32 v5, $+Inf  }
0x22: {  	v8 =	vld [tilespmem:s16+$0x410];
	vm5 =	vgt.f32 v6, $+Inf;
	vm12 =	vgt.f32 v20, $+Inf;
	vm9 =	vlt.f32 v25, $+Inf  }
0x23: {  	v9 =	vld [tilespmem:s16+$0x420];
	vm10 =	vgt.f32 v25, $+Inf;
	v3 =	vnsel vm0, $0x7F800000, v3;
	vm0 =	vlt.f32 v6, $+Inf  }
0x24: {  	v10 =	vld [tilespmem:s16+$0x430];
	vm1 =	vmor vm2, vm1;
	vm2 =	vmor vm4, vm3;
	vm3 =	vlt.f32 v20, $+Inf  }
0x25: {  	v11 =	vld [tilespmem:s16+$0x800];
	vm0 =	vmor vm5, vm0;
	v12 =	vsel vm1, $0x1, v1;
	v13 =	vsel vm2, $0x2, v1  }
0x26: {  	v15 =	vld [tilespmem:s16+$0x810];
	v4 =	vnsel vm1, $0x7F800000, v4;
	v5 =	vnsel vm2, $0x7F800000, v5;
	vm1 =	vlt.f32 v7, v3  }
0x27: {  	v16 =	vld [tilespmem:s16+$0x820];
	vm3 =	vmor vm12, vm3;
	v14 =	vsel vm0, $0x3, v1;
	v6 =	vnsel vm0, $0x7F800000, v6  }
0x28: {  	v17 =	vld [tilespmem:s16+$0x830];
	v3 =	vsel vm1, v7, v3;
	v7 =	vsel vm1, $0x8, v1;
	vm0 =	vlt.f32 v8, v4  }
0x29: {  	v18 =	vld [tilespmem:s16+$0xC00];
	vm1 =	vlt.f32 v9, v5;
	v29 =	vsel vm3, $0x6, v1;
	vm2 =	vlt.f32 v10, v6  }
0x2a: {  	v19 =	vld [tilespmem:s16+$0xC10];
	v12 =	vsel vm0, $0x9, v12;
	v13 =	vsel vm1, $0xA, v13;
	v4 =	vsel vm0, v8, v4  }
0x2b: {  	v41 =	vld [tilespmem:s16+$0xC20];
	v5 =	vsel vm1, v9, v5;
	vm0 =	vlt.f32 v11, v3;
	v14 =	vsel vm2, $0xB, v14  }
0x2c: {  	v42 =	vld [tilespmem:s16+$0xC30];
	v6 =	vsel vm2, v10, v6;
	v3 =	vsel vm0, v11, v3;
	v7 =	vsel vm0, $0x10, v7  }
0x2d: {  	v43 =	vld [tilespmem:s16+$0x1000];
	vm0 =	vlt.f32 v15, v4;
	vm1 =	vlt.f32 v16, v5;
	vm2 =	vlt.f32 v17, v6  }
0x2e: {  	v47 =	vld [tilespmem:s16+$0x1010];
	v44 =	vsel vm0, $0x11, v12;
	v45 =	vsel vm1, $0x12, v13;
	v4 =	vsel vm0, v15, v4  }
0x2f: {  	v48 =	vld [tilespmem:s16+$0x1020];
	v5 =	vsel vm1, v16, v5;
	vm0 =	vlt.f32 v18, v3;
	v46 =	vsel vm2, $0x13, v14  }
0x30: {  	v49 =	vld [tilespmem:s16+$0x1030];
	v6 =	vsel vm2, v17, v6;
	v3 =	vsel vm0, v18, v3;
	v7 =	vsel vm0, $0x18, v7  }
0x31: {  	v50 =	vld [tilespmem:s16+$0x1400];
	vm0 =	vlt.f32 v19, v4;
	vm1 =	vlt.f32 v41, v5;
	vm2 =	vlt.f32 v42, v6  }
0x32: {  	v51 =	vld [tilespmem:s16+$0x1410];
	v11 =	vsel vm0, $0x19, v44;
	v12 =	vsel vm1, $0x1A, v45;
	v4 =	vsel vm0, v19, v4  }
0x33: {  	v52 =	vld [tilespmem:s16+$0x1420];
	v5 =	vsel vm1, v41, v5;
	vm0 =	vlt.f32 v43, v3;
	v13 =	vsel vm2, $0x1B, v46  }
0x34: {  	v53 =	vld [tilespmem:s16+$0x1430];
	v6 =	vsel vm2, v42, v6;
	v3 =	vsel vm0, v43, v3;
	v7 =	vsel vm0, $0x20, v7  }
0x35: {  	v54 =	vld [tilespmem:s16+$0x1800];
	vm0 =	vlt.f32 v47, v4;
	vm1 =	vlt.f32 v48, v5;
	vm2 =	vlt.f32 v49, v6  }
0x36: {  	s22 =	sand.u32 $0x7, s17;
	v55 =	vld [tilespmem:s16+$0x1810];
	v11 =	vsel vm0, $0x21, v11;
	v12 =	vsel vm1, $0x22, v12;
	v4 =	vsel vm0, v47, v4  }
0x37: {  	s18 =	sshll.u32 s22, $0x7;
	v56 =	vld [tilespmem:s16+$0x1820];
	v5 =	vsel vm1, v48, v5;
	vm0 =	vlt.f32 v50, v3;
	v13 =	vsel vm2, $0x23, v13  }
0x38: {  	s18 =	sadd.s32 $0x0, s18;
	v57 =	vld [tilespmem:s16+$0x1830];
	v6 =	vsel vm2, v49, v6;
	v3 =	vsel vm0, v50, v3;
	v7 =	vsel vm0, $0x28, v7  }
0x39: {  	s19 =	sor.u32 $0x1C00, s18;
	vm0 =	vlt.f32 v51, v4;
	vm1 =	vlt.f32 v52, v5;
	vm2 =	vlt.f32 v53, v6  }
0x3a: {  	s23 =	sor.u32 $0x1C10, s18;
	v58 =	vld [tilespmem:s19+$0x0];
	v11 =	vsel vm0, $0x29, v11;
	v12 =	vsel vm1, $0x2A, v12;
	v4 =	vsel vm0, v51, v4  }
0x3b: {  	s24 =	sor.u32 $0x1C20, s18;
	v59 =	vld [tilespmem:s23+$0x0];
	v5 =	vsel vm1, v52, v5;
	vm0 =	vlt.f32 v54, v3;
	v13 =	vsel vm2, $0x2B, v13  }
0x3c: {  	s25 =	sor.u32 $0x1C30, s18;
	v60 =	vld [tilespmem:s24+$0x0];
	v6 =	vsel vm2, v53, v6;
	v3 =	vsel vm0, v54, v3;
	v7 =	vsel vm0, $0x30, v7  }
0x3d: {  	v61 =	vld [tilespmem:s25+$0x0];
	vm0 =	vlt.f32 v55, v4;
	vm1 =	vlt.f32 v56, v5;
	vm2 =	vlt.f32 v57, v6  }
0x3e: {  	v21 =	vld [tilespmem:s16+$0x460];
	v62 =	vsel vm0, $0x31, v11;
	v63 =	vsel vm1, $0x32, v12;
	v4 =	vsel vm0, v55, v4  }
0x3f: {  	v5 =	vsel vm1, v56, v5;
	vm0 =	vlt.f32 v58, v3;
	v18 =	vsel vm2, $0x33, v13  }
0x40: {  	v6 =	vsel vm2, v57, v6;
	v3 =	vsel vm0, v58, v3;
	v7 =	vsel vm0, $0x38, v7  }
0x41: {  	vm0 =	vlt.f32 v59, v4;
	vm1 =	vlt.f32 v60, v5;
	v13 =	vnsel vm3, $0x7F800000, v20  }
0x42: {  	vm2 =	vlt.f32 v61, v6;
	v4 =	vsel vm0, v59, v4;
	v10 =	vsel vm0, $0x39, v62  }
0x43: {  	v36 =	vld [tilespmem:s16+$0x40];
	v5 =	vsel vm1, v60, v5;
	v11 =	vsel vm1, $0x3A, v63;
	vm15 =	vlt.f32 v21, v13  }
0x44: {  	v23 =	vld [tilespmem:s16+$0x860];
	v6 =	vsel vm2, v61, v6;
	v22 =	vsel vm2, $0x3B, v18;
	vm0 =	vlt.f32 v4, v3  }
0x45: {  	v43 =	vld [tilespmem:s16+$0x70];
	vm1 =	veq.f32 v4, v3;
	vm13 =	vlt.u32 v10, v7;
	v8 =	vsel vm15, v21, v13  }
0x46: {  	vm14 =	veq.f32 v6, v5;
	vm6 =	vlt.u32 v22, v11;
	vm1 =	vmand vm1, vm13  }
0x47: {  	v24 =	vld [tilespmem:s16+$0xC60];
	vm2 =	vlt.f32 v6, v5;
	vm4 =	vmand vm14, vm6;
	vm0 =	vmor vm0, vm1  }
0x48: {  	v26 =	vld [tilespmem:s16+$0x1060];
	vm14 =	vgt.f32 v36, $+Inf;
	vm1 =	vmor vm2, vm4;
	v4 =	vsel vm0, v4, v3  }
0x49: {  	v3 =	vsel vm0, v10, v7;
	v7 =	vld [tilespmem:s16+$0x450];
	vm2 =	vlt.f32 v23, v8;
	vm4 =	vmor vm10, vm9  }
0x4a: {  	vm10 =	vlt.f32 v43, $+Inf;
	v6 =	vsel vm1, v6, v5;
	v5 =	vsel vm1, v22, v11  }
0x4b: {  	v27 =	vld [tilespmem:s16+$0x1460];
	v8 =	vsel vm2, v23, v8;
	v31 =	vnsel vm4, $0x7F800000, v25;
	v11 =	vsel vm15, $0xE, v29  }
0x4c: {  	v28 =	vld [tilespmem:s16+$0x850];
	v39 =	vsel vm4, $0x5, v1;
	vm0 =	vlt.f32 v6, v4;
	vm7 =	vlt.f32 v24, v8  }
0x4d: {  	v30 =	vld [tilespmem:s16+$0x1860];
	vm1 =	veq.f32 v6, v4;
	v11 =	vsel vm2, $0x16, v11;
	v8 =	vsel vm7, v24, v8  }
0x4e: {  	v32 =	vld [tilespmem:s16+$0xC50];
	v11 =	vsel vm7, $0x1E, v11;
	vm3 =	vlt.f32 v26, v8;
	vm11 =	vlt.f32 v7, v31  }
0x4f: {  	v34 =	vld [tilespmem:s16+$0x1050];
	s26 =	sor.u32 $0x1C60, s18;
	v8 =	vsel vm3, v26, v8;
	v11 =	vsel vm3, $0x26, v11;
	v7 =	vsel vm11, v7, v31  }
0x50: {  	v33 =	vld [tilespmem:s26+$0x0];
	vm2 =	vlt.f32 v27, v8;
	v12 =	vsel vm11, $0xD, v39;
	vm11 =	vgt.f32 v43, $+Inf  }
0x51: {  	vm12 =	vlt.f32 v28, v7;
	v8 =	vsel vm2, v27, v8;
	v37 =	vsel vm2, $0x2E, v11  }
0x52: {  	v35 =	vld [tilespmem:s16+$0x1450];
	vm5 =	vmor vm11, vm10;
	v7 =	vsel vm12, v28, v7;
	vm2 =	vlt.f32 v30, v8  }
0x53: {  	v40 =	vld [tilespmem:s16+$0x1850];
	v12 =	vsel vm12, $0x15, v12;
	v49 =	vnsel vm5, $0x7F800000, v43;
	vm3 =	vlt.f32 v32, v7  }
0x54: {  	v45 =	vld [tilespmem:s16+$0x470];
	v59 =	vsel vm5, $0x7, v1;
	v8 =	vsel vm2, v30, v8;
	v7 =	vsel vm3, v32, v7  }
0x55: {  	v41 =	vld [tilespmem:s16+$0x440];
	v10 =	vsel vm2, $0x36, v37;
	vm2 =	vlt.f32 v33, v8;
	vm13 =	vlt.f32 v34, v7  }
0x56: {  	v42 =	vld [tilespmem:s16+$0x840];
	v8 =	vsel vm2, v33, v8;
	v10 =	vsel vm2, $0x3E, v10;
	vm2 =	vlt.f32 v36, $+Inf  }
0x57: {  	s28 =	sor.u32 $0x1C50, s18;
	v47 =	vld [tilespmem:s16+$0x870];
	v12 =	vsel vm3, $0x1D, v12;
	v7 =	vsel vm13, v34, v7;
	vm2 =	vmor vm14, vm2  }
0x58: {  	v38 =	vld [tilespmem:s28+$0x0];
	v12 =	vsel vm13, $0x25, v12;
	vm15 =	vlt.f32 v35, v7;
	v9 =	vnsel vm2, $0x7F800000, v36  }
0x59: {  	v44 =	vld [tilespmem:s16+$0xC40];
	v51 =	vsel vm2, $0x4, v1;
	vm2 =	vlt.f32 v45, v49;
	v7 =	vsel vm15, v35, v7  }
0x5a: {  	v50 =	vld [tilespmem:s16+$0xC70];
	vm9 =	vlt.f32 v41, v9;
	v12 =	vsel vm15, $0x2D, v12;
	v11 =	vsel vm2, v45, v49  }
0x5b: {  	v46 =	vld [tilespmem:s16+$0x1040];
	vm3 =	vlt.f32 v40, v7;
	v9 =	vsel vm9, v41, v9;
	v19 =	vsel vm9, $0xC, v51  }
0x5c: {  	v53 =	vld [tilespmem:s16+$0x1070];
	vm14 =	vlt.f32 v47, v11;
	v7 =	vsel vm3, v40, v7;
	vm12 =	vlt.f32 v42, v9  }
0x5d: {  	v48 =	vld [tilespmem:s16+$0x1440];
	v12 =	vsel vm3, $0x35, v12;
	v11 =	vsel vm14, v47, v11;
	v9 =	vsel vm12, v42, v9  }
0x5e: {  	v52 =	vld [tilespmem:s16+$0x1840];
	vm3 =	vlt.f32 v38, v7;
	v19 =	vsel vm12, $0x14, v19;
	vm13 =	vlt.f32 v44, v9  }
0x5f: {  	s29 =	sor.u32 $0x1C40, s18;
	v56 =	vld [tilespmem:s16+$0x1470];
	vm9 =	vlt.f32 v50, v11;
	v7 =	vsel vm3, v38, v7;
	v9 =	vsel vm13, v44, v9  }
0x60: {  	v54 =	vld [tilespmem:s29+$0x0];
	v12 =	vsel vm3, $0x3D, v12;
	v11 =	vsel vm9, v50, v11;
	vm3 =	vlt.f32 v46, v9  }
0x61: {  	v58 =	vld [tilespmem:s16+$0x1870];
	v55 =	vsel vm13, $0x1C, v19;
	vm10 =	vlt.f32 v53, v11;
	v9 =	vsel vm3, v46, v9  }
0x62: {  	s30 =	sor.u32 $0x1C70, s18;
	v11 =	vsel vm10, v53, v11;
	v17 =	vsel vm3, $0x24, v55;
	vm15 =	vlt.f32 v48, v9  }
0x63: {  	v60 =	vld [tilespmem:s30+$0x0];
	v9 =	vsel vm15, v48, v9;
	v57 =	vsel vm15, $0x2C, v17;
	v17 =	vsel vm2, $0xF, v59  }
0x64: {  	vm2 =	vlt.f32 v56, v11;
	vm3 =	vlt.f32 v52, v9;
	v17 =	vsel vm14, $0x17, v17  }
0x65: {  	v11 =	vsel vm2, v56, v11;
	v13 =	vsel vm3, $0x34, v57;
	v9 =	vsel vm3, v52, v9  }
0x66: {  	v17 =	vsel vm9, $0x1F, v17;
	vm11 =	vlt.f32 v58, v11;
	vm3 =	vlt.f32 v54, v9  }
0x67: {  	v61 =	vsel vm10, $0x27, v17;
	v11 =	vsel vm11, v58, v11;
	v9 =	vsel vm3, v54, v9  }
0x68: {  	v13 =	vsel vm3, $0x3C, v13;
	v15 =	vsel vm2, $0x2F, v61;
	vm3 =	vlt.f32 v60, v11  }
0x69: {  	vm2 =	vlt.f32 v7, v9;
	v62 =	vsel vm11, $0x37, v15;
	vm12 =	veq.f32 v7, v9  }
0x6a: {  	v11 =	vsel vm3, v60, v11;
	v14 =	vsel vm3, $0x3F, v62;
	vm3 =	vlt.u32 v12, v13  }
0x6b: {  	vm13 =	veq.f32 v11, v8;
	vm3 =	vmand vm12, vm3;
	vm14 =	vlt.u32 v14, v10  }
0x6c: {  	vm2 =	vmor vm2, vm3;
	vm3 =	vlt.f32 v11, v8;
	vm4 =	vmand vm13, vm14  }
0x6d: {  	vm15 =	vlt.u32 v5, v3;
	v7 =	vsel vm2, v7, v9;
	vm3 =	vmor vm3, vm4  }
0x6e: {  	v63 =	vsel vm2, v12, v13;
	v8 =	vsel vm3, v11, v8;
	v10 =	vsel vm3, v14, v10  }
0x6f: {  	vm1 =	vmand vm1, vm15;
	vm2 =	veq.f32 v8, v7;
	vm3 =	vlt.u32 v10, v63  }
0x70: {  	vm0 =	vmor vm0, vm1;
	vm1 =	vlt.f32 v8, v7;
	vm2 =	vmand vm2, vm3  }
0x71: {  	v4 =	vsel vm0, v6, v4;
	vm1 =	vmor vm1, vm2  }
0x72: {  	v3 =	vsel vm0, v5, v3;
	v5 =	vsel vm1, v8, v7;
	v6 =	vsel vm1, v10, v63  }
0x73: {  	vm0 =	veq.f32 v5, v4;
	vm1 =	vlt.u32 v6, v3  }
0x74: {  	vm2 =	vlt.f32 v5, v4;
	vm0 =	vmand vm0, vm1  }
0x75: {  	vm0 =	vmor vm2, vm0  }
0x76: {  	v4 =	vsel vm0, v5, v4  }
0x77: {  	(xrf0) =	vmin.scan.msk.f32 $0xffff, v4;
	_ =	sdelay $0x5  }
0x78: {  	v5, _, _ =	vpop (xrf0)  }
0x79: {  	v3 =	vsel vm0, v6, v3;
	v5 =	vbroadcast v5, $0xF  }
0x7a: {  	v3 =	vshll.u32 v3, $0x4  }
0x7b: {  	v3 =	vor.u32 v2, v3;
	vm0 =	veq.f32 v4, v5  }
0x7c: {  	v3 =	vnsel vm0, $0x80000400, v3  }
0x7d: {  	(xrf0) =	vmin.scan.msk.u32 $0xffff, v3;
	_ =	sdelay $0x5  }
0x7e: {  	v3, _, _ =	vpop (xrf0)  }
0x7f: {  	(v2sf) =	vpush v3, $0xF;
	_ =	sdelay $0x9  }
0x80: {  	s31 =	sshll.u32 s15, $0x6  }
0x81: {  	s16 =	sand.u32 $0x3FFFFFC0, s31  }
0x82: {  	s20 =	sadd.s32 $0x10000, s16  }
0x83: {  	s21 =	sand.u32 $0xF, s17;
	v3 =	vmov s20  }
0x84: {  	p1 =	sne.s32 s21, $0xF  }
0x85: {  	s18 =	simm.s32 $0x1;
	s19 =	simm.s32 $0x400;
	v5 =	vmov s21;
	s22 =	spop (v2sf)  }
0x86: {  	v4 =	vimm.s32 $0x0;
	s21 =	simm.s32 $0x0;
	vm0 =	veq.s32 v5, v0;
	s20 =	simm.s32 $0x80;
	s22 =	sxor.u32 $0x80000000, s22  }
.LBB2_3:
0x87: {  	s23 =	sand.u32 $0x6000, s19;
	s24 =	sand.u32 $0x380, s20;
	v4 =	vsel vm0, s22, v4;
	s17 =	sand.u32 @!p1 $0x10, s17  }
0x88: {  	s22 =	sor.u32 s24, s23;
	[tilespmem:v3+s17+$0x0 ss:$0x1] =	vst.idx.msk @!p1 $0xffff, v4;
	s17 =	smov.u32 s18  }
0x89: {  	v5 =	vld [tilespmem:s22+$0x0]  }
0x8a: {  	v6 =	vld [tilespmem:s22+$0x10]  }
0x8b: {  	v7 =	vld [tilespmem:s22+$0x20]  }
0x8c: {  	v8 =	vld [tilespmem:s22+$0x30];
	_ =	sdelay $0x1  }
0x8d: {  	v9 =	vld [tilespmem:s22+$0x400]  }
0x8e: {  	vm0 =	vlt.f32 v5, $+Inf;
	vm1 =	vlt.f32 v6, $+Inf;
	v10 =	vld [tilespmem:s22+$0x410]  }
0x8f: {  	vm2 =	vgt.f32 v6, $+Inf;
	vm3 =	vlt.f32 v7, $+Inf;
	vm4 =	vgt.f32 v7, $+Inf;
	v11 =	vld [tilespmem:s22+$0x420]  }
0x90: {  	v5 =	vnsel vm0, $0x7F800000, v5;
	vm0 =	vlt.f32 v8, $+Inf;
	vm5 =	vgt.f32 v8, $+Inf;
	v12 =	vld [tilespmem:s22+$0x430]  }
0x91: {  	vm1 =	vmor vm2, vm1;
	vm2 =	vmor vm4, vm3;
	vm0 =	vmor vm5, vm0;
	v13 =	vld [tilespmem:s22+$0x800]  }
0x92: {  	v14 =	vsel vm1, $0x1, v1;
	v15 =	vsel vm2, $0x2, v1;
	v16 =	vsel vm0, $0x3, v1;
	v17 =	vld [tilespmem:s22+$0x810]  }
0x93: {  	v6 =	vnsel vm1, $0x7F800000, v6;
	v7 =	vnsel vm2, $0x7F800000, v7;
	vm1 =	vlt.f32 v9, v5;
	v18 =	vld [tilespmem:s22+$0x820]  }
0x94: {  	v8 =	vnsel vm0, $0x7F800000, v8;
	v5 =	vsel vm1, v9, v5;
	v9 =	vsel vm1, $0x8, v1;
	v19 =	vld [tilespmem:s22+$0x830]  }
0x95: {  	vm0 =	vlt.f32 v10, v6;
	vm1 =	vlt.f32 v11, v7;
	vm2 =	vlt.f32 v12, v8;
	v20 =	vld [tilespmem:s22+$0xC00]  }
0x96: {  	v14 =	vsel vm0, $0x9, v14;
	v15 =	vsel vm1, $0xA, v15;
	v16 =	vsel vm2, $0xB, v16;
	v21 =	vld [tilespmem:s22+$0xC10]  }
0x97: {  	v6 =	vsel vm0, v10, v6;
	v7 =	vsel vm1, v11, v7;
	vm0 =	vlt.f32 v13, v5;
	v10 =	vld [tilespmem:s22+$0xC20]  }
0x98: {  	v8 =	vsel vm2, v12, v8;
	v5 =	vsel vm0, v13, v5;
	v9 =	vsel vm0, $0x10, v9;
	v11 =	vld [tilespmem:s22+$0xC30]  }
0x99: {  	vm0 =	vlt.f32 v17, v6;
	vm1 =	vlt.f32 v18, v7;
	vm2 =	vlt.f32 v19, v8;
	v12 =	vld [tilespmem:s22+$0x1000]  }
0x9a: {  	v13 =	vsel vm0, $0x11, v14;
	v14 =	vsel vm1, $0x12, v15;
	v15 =	vsel vm2, $0x13, v16;
	v16 =	vld [tilespmem:s22+$0x1010]  }
0x9b: {  	v6 =	vsel vm0, v17, v6;
	v7 =	vsel vm1, v18, v7;
	vm0 =	vlt.f32 v20, v5;
	v17 =	vld [tilespmem:s22+$0x1020]  }
0x9c: {  	v8 =	vsel vm2, v19, v8;
	v5 =	vsel vm0, v20, v5;
	v9 =	vsel vm0, $0x18, v9;
	v18 =	vld [tilespmem:s22+$0x1030]  }
0x9d: {  	vm0 =	vlt.f32 v21, v6;
	vm1 =	vlt.f32 v10, v7;
	vm2 =	vlt.f32 v11, v8;
	v19 =	vld [tilespmem:s22+$0x1400]  }
0x9e: {  	v13 =	vsel vm0, $0x19, v13;
	v14 =	vsel vm1, $0x1A, v14;
	v15 =	vsel vm2, $0x1B, v15;
	v20 =	vld [tilespmem:s22+$0x1410]  }
0x9f: {  	v6 =	vsel vm0, v21, v6;
	v7 =	vsel vm1, v10, v7;
	vm0 =	vlt.f32 v12, v5;
	v10 =	vld [tilespmem:s22+$0x1420]  }
0xa0: {  	s21 =	sadd.s32 $0x1, s21;
	v8 =	vsel vm2, v11, v8;
	v5 =	vsel vm0, v12, v5;
	v9 =	vsel vm0, $0x20, v9;
	v11 =	vld [tilespmem:s22+$0x1430]  }
0xa1: {  	s23 =	sand.u32 $0x7, s21;
	vm0 =	vlt.f32 v16, v6;
	vm1 =	vlt.f32 v17, v7;
	vm2 =	vlt.f32 v18, v8;
	v12 =	vld [tilespmem:s22+$0x1800]  }
0xa2: {  	s23 =	sshll.u32 s23, $0x7;
	v13 =	vsel vm0, $0x21, v13;
	v14 =	vsel vm1, $0x22, v14;
	v15 =	vsel vm2, $0x23, v15;
	v21 =	vld [tilespmem:s22+$0x1810]  }
0xa3: {  	s23 =	sadd.s32 s23, s19;
	v6 =	vsel vm0, v16, v6;
	v7 =	vsel vm1, v17, v7;
	vm0 =	vlt.f32 v19, v5;
	v16 =	vld [tilespmem:s22+$0x1820]  }
0xa4: {  	s24 =	sor.u32 $0x1C00, s23;
	v8 =	vsel vm2, v18, v8;
	v5 =	vsel vm0, v19, v5;
	v9 =	vsel vm0, $0x28, v9;
	v17 =	vld [tilespmem:s22+$0x1830]  }
0xa5: {  	vm0 =	vlt.f32 v20, v6;
	vm1 =	vlt.f32 v10, v7;
	vm2 =	vlt.f32 v11, v8;
	v18 =	vld [tilespmem:s24+$0x0];
	s24 =	sor.u32 $0x1C10, s23  }
0xa6: {  	v13 =	vsel vm0, $0x29, v13;
	v14 =	vsel vm1, $0x2A, v14;
	v15 =	vsel vm2, $0x2B, v15;
	v19 =	vld [tilespmem:s24+$0x0];
	s24 =	sor.u32 $0x1C20, s23  }
0xa7: {  	v6 =	vsel vm0, v20, v6;
	v7 =	vsel vm1, v10, v7;
	vm0 =	vlt.f32 v12, v5;
	v10 =	vld [tilespmem:s24+$0x0];
	s24 =	sor.u32 $0x1C30, s23  }
0xa8: {  	v8 =	vsel vm2, v11, v8;
	v5 =	vsel vm0, v12, v5;
	v9 =	vsel vm0, $0x30, v9;
	v11 =	vld [tilespmem:s24+$0x0]  }
0xa9: {  	vm0 =	vlt.f32 v21, v6;
	vm1 =	vlt.f32 v16, v7;
	vm2 =	vlt.f32 v17, v8  }
0xaa: {  	v12 =	vsel vm0, $0x31, v13;
	v13 =	vsel vm1, $0x32, v14;
	v14 =	vsel vm2, $0x33, v15  }
0xab: {  	v6 =	vsel vm0, v21, v6;
	v7 =	vsel vm1, v16, v7;
	vm0 =	vlt.f32 v18, v5  }
0xac: {  	v8 =	vsel vm2, v17, v8;
	v5 =	vsel vm0, v18, v5;
	v9 =	vsel vm0, $0x38, v9;
	v15 =	vld [tilespmem:s22+$0x60]  }
0xad: {  	vm0 =	vlt.f32 v19, v6;
	vm1 =	vlt.f32 v10, v7;
	vm2 =	vlt.f32 v11, v8  }
0xae: {  	v6 =	vsel vm0, v19, v6;
	v12 =	vsel vm0, $0x39, v12;
	v7 =	vsel vm1, v10, v7  }
0xaf: {  	v13 =	vsel vm1, $0x3A, v13;
	v8 =	vsel vm2, v11, v8;
	v11 =	vsel vm2, $0x3B, v14;
	v10 =	vld [tilespmem:s22+$0x460]  }
0xb0: {  	vm0 =	vlt.f32 v6, v5;
	vm1 =	veq.f32 v6, v5;
	vm2 =	vlt.f32 v8, v7  }
0xb1: {  	vm5 =	vlt.u32 v12, v9;
	vm3 =	vlt.f32 v15, $+Inf;
	vm4 =	vgt.f32 v15, $+Inf;
	v14 =	vld [tilespmem:s22+$0x860]  }
0xb2: {  	vm6 =	vlt.u32 v11, v13;
	vm3 =	vmor vm4, vm3;
	v16 =	vld [tilespmem:s22+$0xC60];
	vm4 =	veq.f32 v8, v7  }
0xb3: {  	vm1 =	vmand vm1, vm5;
	v17 =	vld [tilespmem:s22+$0x50];
	v15 =	vnsel vm3, $0x7F800000, v15;
	vm4 =	vmand vm4, vm6  }
0xb4: {  	vm0 =	vmor vm0, vm1;
	vm5 =	vlt.f32 v10, v15;
	vm1 =	vmor vm2, vm4  }
0xb5: {  	v6 =	vsel vm0, v6, v5;
	v5 =	vsel vm0, v12, v9;
	v10 =	vsel vm5, v10, v15;
	v15 =	vld [tilespmem:s22+$0x1060]  }
0xb6: {  	v8 =	vsel vm1, v8, v7;
	v7 =	vsel vm1, v11, v13;
	v9 =	vld [tilespmem:s22+$0x450];
	vm4 =	vlt.f32 v14, v10  }
0xb7: {  	vm0 =	vlt.f32 v8, v6;
	vm1 =	veq.f32 v8, v6;
	v10 =	vsel vm4, v14, v10;
	v11 =	vld [tilespmem:s22+$0x1460]  }
0xb8: {  	vm2 =	vlt.f32 v17, $+Inf;
	vm6 =	vgt.f32 v17, $+Inf;
	v12 =	vld [tilespmem:s22+$0x850];
	vm7 =	vlt.f32 v16, v10  }
0xb9: {  	v13 =	vsel vm3, $0x6, v1;
	vm2 =	vmor vm6, vm2;
	v10 =	vsel vm7, v16, v10;
	v14 =	vld [tilespmem:s22+$0x1860]  }
0xba: {  	s24 =	sor.u32 $0x1C60, s23;
	v13 =	vsel vm5, $0xE, v13;
	v16 =	vnsel vm2, $0x7F800000, v17;
	v17 =	vld [tilespmem:s22+$0xC50];
	vm3 =	vlt.f32 v15, v10  }
0xbb: {  	v13 =	vsel vm4, $0x16, v13;
	vm5 =	vlt.f32 v9, v16;
	v10 =	vsel vm3, v15, v10;
	v15 =	vld [tilespmem:s24+$0x0]  }
0xbc: {  	v13 =	vsel vm7, $0x1E, v13;
	v9 =	vsel vm5, v9, v16;
	v16 =	vld [tilespmem:s22+$0x1050];
	vm4 =	vlt.f32 v11, v10  }
0xbd: {  	v13 =	vsel vm3, $0x26, v13;
	vm6 =	vlt.f32 v12, v9;
	v18 =	vld [tilespmem:s22+$0x1450];
	v10 =	vsel vm4, v11, v10  }
0xbe: {  	s24 =	sor.u32 $0x1C50, s23;
	v11 =	vld [tilespmem:s22+$0x40];
	v9 =	vsel vm6, v12, v9;
	v12 =	vsel vm4, $0x2E, v13;
	vm3 =	vlt.f32 v14, v10  }
0xbf: {  	vm4 =	vlt.f32 v17, v9;
	v10 =	vsel vm3, v14, v10;
	v12 =	vsel vm3, $0x36, v12;
	v13 =	vld [tilespmem:s24+$0x0]  }
0xc0: {  	v14 =	vsel vm2, $0x5, v1;
	v9 =	vsel vm4, v17, v9;
	v17 =	vld [tilespmem:s22+$0x1850];
	vm2 =	vlt.f32 v15, v10  }
0xc1: {  	s18 =	sadd.s32 $0x1, s18;
	v14 =	vsel vm5, $0xD, v14;
	v19 =	vld [tilespmem:s22+$0x440];
	vm5 =	vlt.f32 v16, v9;
	v10 =	vsel vm2, v15, v10  }
0xc2: {  	p0 =	sne.s32 s18, $0x20;
	v14 =	vsel vm6, $0x15, v14;
	v12 =	vsel vm2, $0x3E, v12;
	v15 =	vld [tilespmem:s22+$0x840];
	v9 =	vsel vm5, v16, v9  }
0xc3: {  	vm2 =	vlt.f32 v11, $+Inf;
	vm3 =	vgt.f32 v11, $+Inf;
	v16 =	vld [tilespmem:s22+$0x70];
	vm6 =	vlt.f32 v18, v9  }
0xc4: {  	v14 =	vsel vm4, $0x1D, v14;
	vm3 =	vmor vm3, vm2;
	v9 =	vsel vm6, v18, v9  }
0xc5: {  	v14 =	vsel vm5, $0x25, v14;
	v11 =	vnsel vm3, $0x7F800000, v11;
	v18 =	vld [tilespmem:s22+$0xC40];
	vm2 =	vlt.f32 v17, v9  }
0xc6: {  	v14 =	vsel vm6, $0x2D, v14;
	vm4 =	vlt.f32 v19, v11;
	v20 =	vld [tilespmem:s22+$0x470];
	v9 =	vsel vm2, v17, v9  }
0xc7: {  	v14 =	vsel vm2, $0x35, v14;
	v11 =	vsel vm4, v19, v11;
	v17 =	vld [tilespmem:s22+$0x1040];
	vm5 =	vlt.f32 v13, v9  }
0xc8: {  	vm2 =	vlt.f32 v16, $+Inf;
	vm6 =	vgt.f32 v16, $+Inf;
	vm7 =	vlt.f32 v15, v11;
	v19 =	vld [tilespmem:s22+$0x870]  }
0xc9: {  	v9 =	vsel vm5, v13, v9;
	vm2 =	vmor vm6, vm2;
	v11 =	vsel vm7, v15, v11;
	v15 =	vld [tilespmem:s22+$0x1440]  }
0xca: {  	v14 =	vsel vm5, $0x3D, v14;
	v13 =	vnsel vm2, $0x7F800000, v16;
	vm6 =	vlt.f32 v18, v11;
	v16 =	vld [tilespmem:s22+$0xC70]  }
0xcb: {  	v21 =	vsel vm3, $0x4, v1;
	vm3 =	vlt.f32 v20, v13;
	v11 =	vsel vm6, v18, v11;
	v18 =	vld [tilespmem:s22+$0x1840]  }
0xcc: {  	s24 =	sor.u32 $0x1C40, s23;
	v21 =	vsel vm4, $0xC, v21;
	v13 =	vsel vm3, v20, v13;
	vm4 =	vlt.f32 v17, v11;
	v20 =	vld [tilespmem:s22+$0x1070]  }
0xcd: {  	v21 =	vsel vm7, $0x14, v21;
	vm5 =	vlt.f32 v19, v13;
	v11 =	vsel vm4, v17, v11;
	v17 =	vld [tilespmem:s24+$0x0]  }
0xce: {  	v13 =	vsel vm5, v19, v13;
	v19 =	vsel vm6, $0x1C, v21;
	vm6 =	vlt.f32 v15, v11;
	v21 =	vld [tilespmem:s22+$0x1470]  }
0xcf: {  	vm7 =	vlt.f32 v16, v13;
	v19 =	vsel vm4, $0x24, v19;
	v11 =	vsel vm6, v15, v11  }
0xd0: {  	v13 =	vsel vm7, v16, v13;
	v15 =	vsel vm6, $0x2C, v19;
	vm4 =	vlt.f32 v18, v11;
	v16 =	vld [tilespmem:s22+$0x1870]  }
0xd1: {  	v19 =	vsel vm2, $0x7, v1;
	s22 =	sor.u32 $0x1C70, s23;
	vm2 =	vlt.f32 v20, v13;
	v15 =	vsel vm4, $0x34, v15  }
0xd2: {  	v19 =	vsel vm3, $0xF, v19;
	v11 =	vsel vm4, v18, v11;
	v13 =	vsel vm2, v20, v13;
	v18 =	vld [tilespmem:s22+$0x0]  }
0xd3: {  	v19 =	vsel vm5, $0x17, v19;
	vm4 =	vlt.f32 v17, v11;
	vm3 =	vlt.f32 v21, v13  }
0xd4: {  	v19 =	vsel vm7, $0x1F, v19;
	v11 =	vsel vm4, v17, v11;
	v13 =	vsel vm3, v21, v13  }
0xd5: {  	v15 =	vsel vm4, $0x3C, v15;
	v17 =	vsel vm2, $0x27, v19;
	vm2 =	vlt.f32 v16, v13  }
0xd6: {  	v17 =	vsel vm3, $0x2F, v17;
	vm3 =	vlt.f32 v9, v11;
	v13 =	vsel vm2, v16, v13  }
0xd7: {  	vm4 =	veq.f32 v9, v11;
	v16 =	vsel vm2, $0x37, v17;
	vm2 =	vlt.f32 v18, v13  }
0xd8: {  	v13 =	vsel vm2, v18, v13;
	v16 =	vsel vm2, $0x3F, v16;
	vm2 =	vlt.u32 v14, v15  }
0xd9: {  	vm2 =	vmand vm4, vm2;
	vm4 =	veq.f32 v13, v10;
	vm5 =	vlt.u32 v16, v12  }
0xda: {  	vm2 =	vmor vm3, vm2;
	vm3 =	vlt.f32 v13, v10;
	vm4 =	vmand vm4, vm5  }
0xdb: {  	v9 =	vsel vm2, v9, v11;
	vm3 =	vmor vm3, vm4;
	vm4 =	vlt.u32 v7, v5  }
0xdc: {  	v11 =	vsel vm2, v14, v15;
	v10 =	vsel vm3, v13, v10;
	v12 =	vsel vm3, v16, v12  }
0xdd: {  	vm1 =	vmand vm1, vm4;
	vm2 =	veq.f32 v10, v9;
	vm3 =	vlt.u32 v12, v11  }
0xde: {  	vm0 =	vmor vm0, vm1;
	vm1 =	vlt.f32 v10, v9;
	vm2 =	vmand vm2, vm3  }
0xdf: {  	v6 =	vsel vm0, v8, v6;
	vm1 =	vmor vm1, vm2  }
0xe0: {  	v5 =	vsel vm0, v7, v5;
	v7 =	vsel vm1, v10, v9;
	v8 =	vsel vm1, v12, v11  }
0xe1: {  	vm0 =	veq.f32 v7, v6;
	vm1 =	vlt.u32 v8, v5  }
0xe2: {  	vm2 =	vlt.f32 v7, v6;
	vm0 =	vmand vm0, vm1  }
0xe3: {  	vm0 =	vmor vm2, vm0  }
0xe4: {  	v6 =	vsel vm0, v7, v6;
	v5 =	vsel vm0, v8, v5  }
0xe5: {  	(xrf0) =	vmin.scan.msk.f32 $0xffff, v6;
	_ =	sdelay $0x5  }
0xe6: {  	v7, _, _ =	vpop (xrf0)  }
0xe7: {  	v7 =	vbroadcast v7, $0xF  }
0xe8: {  	v5 =	vshll.u32 v5, $0x4  }
0xe9: {  	v5 =	vor.u32 v2, v5;
	vm0 =	veq.f32 v6, v7  }
0xea: {  	v5 =	vnsel vm0, $0x80000400, v5  }
0xeb: {  	(xrf0) =	vmin.scan.msk.u32 $0xffff, v5;
	_ =	sdelay $0x5  }
0xec: {  	v5, _, _ =	vpop (xrf0)  }
0xed: {  	(v2sf) =	vpush v5, $0xF;
	_ =	sdelay $0xb  }
.Ltmp2:
0xee: {  	(pc) =	sbr.rel @p0 .LBB2_3-.Ltmp2, $4  }
0xef: {  	_ = 	snop  }
0xf0: {  	s23 =	sand.u32 $0xF, s17  }
0xf1: {  	s19 =	sadd.s32 $0x400, s19;
	v5 =	vmov s23;
	s22 =	spop (v2sf)  }
0xf2: {  	s20 =	sadd.s32 $0x80, s20;
	p1 =	sne.s32 s23, $0xF;
	vm0 =	veq.s32 v5, v0;
	s22 =	sxor.u32 $0x80000000, s22  }
0xf3: {  	_ =	sdelay $0x2  }
0xf4: {  	v4 =	vsel vm0, s22, v4;
	s18 =	sand.u32 @!p1 $0x10, s17;
	s17 =	sshll.u32 s15, $0xD;
	p0 =	seq.s32 s15, $0x5  }
0xf5: {  	[tilespmem:v3+s18+$0x0 ss:$0x1] =	vst.idx.msk @!p1 $0xffff, v4;
	s18 =	sadd.s32 @!p0 s17, s5;
	s19 =	simm.s32 @!p0 $0x0  }
0xf6: {  	[tilespmem:s19], [sflag:$0x1] =	stream.linear.gather @!p0 [hbm4b:s18+s19], $0x8000, $0x38;
	[tilespmem:$0x10180] =	vst v63  }
0xf7: {  	s18 =	simm.s32 $0x0;
	_ =	swait.ge [sflag:s11], $0x8000  }
0xf8: {  	s20 =	sand.u32 $0x6000, s18;
	s28 =	sand.u32 $0x380, s18;
	[sflag:s11] =	ssyncset.done $0x0  }
0xf9: {  	s19 =	sor.u32 s28, s20;
	[sflag:s11] =	ssyncadd.s32 $0xFFFF8000  }
0xfa: {  	v3 =	vld [tilespmem:s19+$0x8000]  }
0xfb: {  	v4 =	vld [tilespmem:s19+$0x8010]  }
0xfc: {  	v5 =	vld [tilespmem:s19+$0x8020]  }
0xfd: {  	v6 =	vld [tilespmem:s19+$0x8030]  }
0xfe: {  	v20 =	vld [tilespmem:s19+$0x8060]  }
0xff: {  	v25 =	vld [tilespmem:s19+$0x8050];
	_ =	sdelay $0x2  }
0x100: {  	vm0 =	vlt.f32 v3, $+Inf;
	vm1 =	vlt.f32 v4, $+Inf  }
0x101: {  	v7 =	vld [tilespmem:s19+$0x8400];
	vm2 =	vgt.f32 v4, $+Inf;
	vm3 =	vlt.f32 v5, $+Inf;
	vm4 =	vgt.f32 v5, $+Inf  }
0x102: {  	v8 =	vld [tilespmem:s19+$0x8410];
	vm5 =	vgt.f32 v6, $+Inf;
	vm12 =	vgt.f32 v20, $+Inf;
	vm9 =	vlt.f32 v25, $+Inf  }
0x103: {  	v9 =	vld [tilespmem:s19+$0x8420];
	vm10 =	vgt.f32 v25, $+Inf;
	v3 =	vnsel vm0, $0x7F800000, v3;
	vm0 =	vlt.f32 v6, $+Inf  }
0x104: {  	v10 =	vld [tilespmem:s19+$0x8430];
	vm1 =	vmor vm2, vm1;
	vm2 =	vmor vm4, vm3;
	vm3 =	vlt.f32 v20, $+Inf  }
0x105: {  	v11 =	vld [tilespmem:s19+$0x8800];
	vm0 =	vmor vm5, vm0;
	v12 =	vsel vm1, $0x1, v1;
	v13 =	vsel vm2, $0x2, v1  }
0x106: {  	v15 =	vld [tilespmem:s19+$0x8810];
	v4 =	vnsel vm1, $0x7F800000, v4;
	v5 =	vnsel vm2, $0x7F800000, v5;
	vm1 =	vlt.f32 v7, v3  }
0x107: {  	s20 =	sor.u32 s20, s18;
	v16 =	vld [tilespmem:s19+$0x8820];
	vm3 =	vmor vm12, vm3;
	v14 =	vsel vm0, $0x3, v1;
	v6 =	vnsel vm0, $0x7F800000, v6  }
0x108: {  	s20 =	sor.u32 $0x8C00, s20;
	v17 =	vld [tilespmem:s19+$0x8830];
	v3 =	vsel vm1, v7, v3;
	v7 =	vsel vm1, $0x8, v1;
	vm0 =	vlt.f32 v8, v4  }
0x109: {  	v18 =	vld [tilespmem:s20+$0x0];
	vm1 =	vlt.f32 v9, v5;
	v29 =	vsel vm3, $0x6, v1;
	vm2 =	vlt.f32 v10, v6  }
0x10a: {  	v19 =	vld [tilespmem:s20+$0x10];
	v12 =	vsel vm0, $0x9, v12;
	v13 =	vsel vm1, $0xA, v13;
	v4 =	vsel vm0, v8, v4  }
0x10b: {  	v41 =	vld [tilespmem:s20+$0x20];
	v5 =	vsel vm1, v9, v5;
	vm0 =	vlt.f32 v11, v3;
	v14 =	vsel vm2, $0xB, v14  }
0x10c: {  	v42 =	vld [tilespmem:s20+$0x30];
	v6 =	vsel vm2, v10, v6;
	v3 =	vsel vm0, v11, v3;
	v7 =	vsel vm0, $0x10, v7  }
0x10d: {  	v43 =	vld [tilespmem:s19+$0x9000];
	vm0 =	vlt.f32 v15, v4;
	vm1 =	vlt.f32 v16, v5;
	vm2 =	vlt.f32 v17, v6  }
0x10e: {  	v47 =	vld [tilespmem:s19+$0x9010];
	v44 =	vsel vm0, $0x11, v12;
	v45 =	vsel vm1, $0x12, v13;
	v4 =	vsel vm0, v15, v4  }
0x10f: {  	v48 =	vld [tilespmem:s19+$0x9020];
	v5 =	vsel vm1, v16, v5;
	vm0 =	vlt.f32 v18, v3;
	v46 =	vsel vm2, $0x13, v14  }
0x110: {  	v49 =	vld [tilespmem:s19+$0x9030];
	v6 =	vsel vm2, v17, v6;
	v3 =	vsel vm0, v18, v3;
	v7 =	vsel vm0, $0x18, v7  }
0x111: {  	v50 =	vld [tilespmem:s19+$0x9400];
	vm0 =	vlt.f32 v19, v4;
	vm1 =	vlt.f32 v41, v5;
	vm2 =	vlt.f32 v42, v6  }
0x112: {  	v51 =	vld [tilespmem:s19+$0x9410];
	v11 =	vsel vm0, $0x19, v44;
	v12 =	vsel vm1, $0x1A, v45;
	v4 =	vsel vm0, v19, v4  }
0x113: {  	v52 =	vld [tilespmem:s19+$0x9420];
	v5 =	vsel vm1, v41, v5;
	vm0 =	vlt.f32 v43, v3;
	v13 =	vsel vm2, $0x1B, v46  }
0x114: {  	v53 =	vld [tilespmem:s19+$0x9430];
	v6 =	vsel vm2, v42, v6;
	v3 =	vsel vm0, v43, v3;
	v7 =	vsel vm0, $0x20, v7  }
0x115: {  	v54 =	vld [tilespmem:s19+$0x9800];
	vm0 =	vlt.f32 v47, v4;
	vm1 =	vlt.f32 v48, v5;
	vm2 =	vlt.f32 v49, v6  }
0x116: {  	v55 =	vld [tilespmem:s19+$0x9810];
	v11 =	vsel vm0, $0x21, v11;
	v12 =	vsel vm1, $0x22, v12;
	v4 =	vsel vm0, v47, v4  }
0x117: {  	v56 =	vld [tilespmem:s19+$0x9820];
	v5 =	vsel vm1, v48, v5;
	vm0 =	vlt.f32 v50, v3;
	v13 =	vsel vm2, $0x23, v13  }
0x118: {  	s21 =	sor.u32 s18, s18;
	v57 =	vld [tilespmem:s19+$0x9830];
	v6 =	vsel vm2, v49, v6;
	v3 =	vsel vm0, v50, v3;
	v7 =	vsel vm0, $0x28, v7  }
0x119: {  	s21 =	sor.u32 $0x9C00, s21;
	vm0 =	vlt.f32 v51, v4;
	vm1 =	vlt.f32 v52, v5;
	vm2 =	vlt.f32 v53, v6  }
0x11a: {  	v58 =	vld [tilespmem:s21+$0x0];
	v11 =	vsel vm0, $0x29, v11;
	v12 =	vsel vm1, $0x2A, v12;
	v4 =	vsel vm0, v51, v4  }
0x11b: {  	v59 =	vld [tilespmem:s21+$0x10];
	v5 =	vsel vm1, v52, v5;
	vm0 =	vlt.f32 v54, v3;
	v13 =	vsel vm2, $0x2B, v13  }
0x11c: {  	v60 =	vld [tilespmem:s21+$0x20];
	v6 =	vsel vm2, v53, v6;
	v3 =	vsel vm0, v54, v3;
	v7 =	vsel vm0, $0x30, v7  }
0x11d: {  	v61 =	vld [tilespmem:s21+$0x30];
	vm0 =	vlt.f32 v55, v4;
	vm1 =	vlt.f32 v56, v5;
	vm2 =	vlt.f32 v57, v6  }
0x11e: {  	v21 =	vld [tilespmem:s19+$0x8460];
	v62 =	vsel vm0, $0x31, v11;
	v63 =	vsel vm1, $0x32, v12;
	v4 =	vsel vm0, v55, v4  }
0x11f: {  	v5 =	vsel vm1, v56, v5;
	vm0 =	vlt.f32 v58, v3;
	v18 =	vsel vm2, $0x33, v13  }
0x120: {  	v6 =	vsel vm2, v57, v6;
	v3 =	vsel vm0, v58, v3;
	v7 =	vsel vm0, $0x38, v7  }
0x121: {  	vm0 =	vlt.f32 v59, v4;
	vm1 =	vlt.f32 v60, v5;
	v13 =	vnsel vm3, $0x7F800000, v20  }
0x122: {  	vm2 =	vlt.f32 v61, v6;
	v4 =	vsel vm0, v59, v4;
	v10 =	vsel vm0, $0x39, v62  }
0x123: {  	v36 =	vld [tilespmem:s19+$0x8040];
	v5 =	vsel vm1, v60, v5;
	v11 =	vsel vm1, $0x3A, v63;
	vm15 =	vlt.f32 v21, v13  }
0x124: {  	v23 =	vld [tilespmem:s19+$0x8860];
	v6 =	vsel vm2, v61, v6;
	v22 =	vsel vm2, $0x3B, v18;
	vm0 =	vlt.f32 v4, v3  }
0x125: {  	v43 =	vld [tilespmem:s19+$0x8070];
	vm1 =	veq.f32 v4, v3;
	vm13 =	vlt.u32 v10, v7;
	v8 =	vsel vm15, v21, v13  }
0x126: {  	vm14 =	veq.f32 v6, v5;
	vm6 =	vlt.u32 v22, v11;
	vm1 =	vmand vm1, vm13  }
0x127: {  	v24 =	vld [tilespmem:s20+$0x60];
	vm2 =	vlt.f32 v6, v5;
	vm4 =	vmand vm14, vm6;
	vm0 =	vmor vm0, vm1  }
0x128: {  	v26 =	vld [tilespmem:s19+$0x9060];
	vm14 =	vgt.f32 v36, $+Inf;
	vm1 =	vmor vm2, vm4;
	v4 =	vsel vm0, v4, v3  }
0x129: {  	v3 =	vsel vm0, v10, v7;
	v7 =	vld [tilespmem:s19+$0x8450];
	vm2 =	vlt.f32 v23, v8;
	vm4 =	vmor vm10, vm9  }
0x12a: {  	vm10 =	vlt.f32 v43, $+Inf;
	v6 =	vsel vm1, v6, v5;
	v5 =	vsel vm1, v22, v11  }
0x12b: {  	v27 =	vld [tilespmem:s19+$0x9460];
	v8 =	vsel vm2, v23, v8;
	v31 =	vnsel vm4, $0x7F800000, v25;
	v11 =	vsel vm15, $0xE, v29  }
0x12c: {  	v28 =	vld [tilespmem:s19+$0x8850];
	v39 =	vsel vm4, $0x5, v1;
	vm0 =	vlt.f32 v6, v4;
	vm7 =	vlt.f32 v24, v8  }
0x12d: {  	v30 =	vld [tilespmem:s19+$0x9860];
	vm1 =	veq.f32 v6, v4;
	v11 =	vsel vm2, $0x16, v11;
	v8 =	vsel vm7, v24, v8  }
0x12e: {  	v32 =	vld [tilespmem:s20+$0x50];
	v11 =	vsel vm7, $0x1E, v11;
	vm3 =	vlt.f32 v26, v8;
	vm11 =	vlt.f32 v7, v31  }
0x12f: {  	v33 =	vld [tilespmem:s21+$0x60];
	v8 =	vsel vm3, v26, v8;
	v11 =	vsel vm3, $0x26, v11;
	v7 =	vsel vm11, v7, v31  }
0x130: {  	v34 =	vld [tilespmem:s19+$0x9050];
	vm2 =	vlt.f32 v27, v8;
	v12 =	vsel vm11, $0xD, v39;
	vm11 =	vgt.f32 v43, $+Inf  }
0x131: {  	vm12 =	vlt.f32 v28, v7;
	v8 =	vsel vm2, v27, v8;
	v37 =	vsel vm2, $0x2E, v11  }
0x132: {  	v35 =	vld [tilespmem:s19+$0x9450];
	vm5 =	vmor vm11, vm10;
	v7 =	vsel vm12, v28, v7;
	vm2 =	vlt.f32 v30, v8  }
0x133: {  	v40 =	vld [tilespmem:s19+$0x9850];
	v12 =	vsel vm12, $0x15, v12;
	v49 =	vnsel vm5, $0x7F800000, v43;
	vm3 =	vlt.f32 v32, v7  }
0x134: {  	v45 =	vld [tilespmem:s19+$0x8470];
	v59 =	vsel vm5, $0x7, v1;
	v8 =	vsel vm2, v30, v8;
	v7 =	vsel vm3, v32, v7  }
0x135: {  	v41 =	vld [tilespmem:s19+$0x8440];
	v10 =	vsel vm2, $0x36, v37;
	vm2 =	vlt.f32 v33, v8;
	vm13 =	vlt.f32 v34, v7  }
0x136: {  	v42 =	vld [tilespmem:s19+$0x8840];
	v8 =	vsel vm2, v33, v8;
	v10 =	vsel vm2, $0x3E, v10;
	vm2 =	vlt.f32 v36, $+Inf  }
0x137: {  	v47 =	vld [tilespmem:s19+$0x8870];
	v12 =	vsel vm3, $0x1D, v12;
	v7 =	vsel vm13, v34, v7;
	vm2 =	vmor vm14, vm2  }
0x138: {  	v38 =	vld [tilespmem:s21+$0x50];
	v12 =	vsel vm13, $0x25, v12;
	vm15 =	vlt.f32 v35, v7;
	v9 =	vnsel vm2, $0x7F800000, v36  }
0x139: {  	v44 =	vld [tilespmem:s20+$0x40];
	v51 =	vsel vm2, $0x4, v1;
	vm2 =	vlt.f32 v45, v49;
	v7 =	vsel vm15, v35, v7  }
0x13a: {  	v50 =	vld [tilespmem:s20+$0x70];
	vm9 =	vlt.f32 v41, v9;
	v12 =	vsel vm15, $0x2D, v12;
	v11 =	vsel vm2, v45, v49  }
0x13b: {  	v46 =	vld [tilespmem:s19+$0x9040];
	vm3 =	vlt.f32 v40, v7;
	v9 =	vsel vm9, v41, v9;
	v19 =	vsel vm9, $0xC, v51  }
0x13c: {  	v53 =	vld [tilespmem:s19+$0x9070];
	vm14 =	vlt.f32 v47, v11;
	v7 =	vsel vm3, v40, v7;
	vm12 =	vlt.f32 v42, v9  }
0x13d: {  	v48 =	vld [tilespmem:s19+$0x9440];
	v12 =	vsel vm3, $0x35, v12;
	v11 =	vsel vm14, v47, v11;
	v9 =	vsel vm12, v42, v9  }
0x13e: {  	v52 =	vld [tilespmem:s19+$0x9840];
	vm3 =	vlt.f32 v38, v7;
	v19 =	vsel vm12, $0x14, v19;
	vm13 =	vlt.f32 v44, v9  }
0x13f: {  	v56 =	vld [tilespmem:s19+$0x9470];
	vm9 =	vlt.f32 v50, v11;
	v7 =	vsel vm3, v38, v7;
	v9 =	vsel vm13, v44, v9  }
0x140: {  	v54 =	vld [tilespmem:s21+$0x40];
	v12 =	vsel vm3, $0x3D, v12;
	v11 =	vsel vm9, v50, v11;
	vm3 =	vlt.f32 v46, v9  }
0x141: {  	v58 =	vld [tilespmem:s19+$0x9870];
	v55 =	vsel vm13, $0x1C, v19;
	vm10 =	vlt.f32 v53, v11;
	v9 =	vsel vm3, v46, v9  }
0x142: {  	v11 =	vsel vm10, v53, v11;
	v17 =	vsel vm3, $0x24, v55;
	vm15 =	vlt.f32 v48, v9  }
0x143: {  	v60 =	vld [tilespmem:s21+$0x70];
	v9 =	vsel vm15, v48, v9;
	v57 =	vsel vm15, $0x2C, v17;
	v17 =	vsel vm2, $0xF, v59  }
0x144: {  	vm2 =	vlt.f32 v56, v11;
	vm3 =	vlt.f32 v52, v9;
	v17 =	vsel vm14, $0x17, v17  }
0x145: {  	v11 =	vsel vm2, v56, v11;
	v13 =	vsel vm3, $0x34, v57;
	v9 =	vsel vm3, v52, v9  }
0x146: {  	v17 =	vsel vm9, $0x1F, v17;
	vm11 =	vlt.f32 v58, v11;
	vm3 =	vlt.f32 v54, v9  }
0x147: {  	v61 =	vsel vm10, $0x27, v17;
	v11 =	vsel vm11, v58, v11;
	v9 =	vsel vm3, v54, v9  }
0x148: {  	v13 =	vsel vm3, $0x3C, v13;
	v15 =	vsel vm2, $0x2F, v61;
	vm3 =	vlt.f32 v60, v11  }
0x149: {  	vm2 =	vlt.f32 v7, v9;
	v62 =	vsel vm11, $0x37, v15;
	vm12 =	veq.f32 v7, v9  }
0x14a: {  	v11 =	vsel vm3, v60, v11;
	v14 =	vsel vm3, $0x3F, v62;
	vm3 =	vlt.u32 v12, v13  }
0x14b: {  	vm13 =	veq.f32 v11, v8;
	vm3 =	vmand vm12, vm3;
	vm14 =	vlt.u32 v14, v10  }
0x14c: {  	vm2 =	vmor vm2, vm3;
	vm3 =	vlt.f32 v11, v8;
	vm4 =	vmand vm13, vm14  }
0x14d: {  	vm15 =	vlt.u32 v5, v3;
	v7 =	vsel vm2, v7, v9;
	vm3 =	vmor vm3, vm4  }
0x14e: {  	v63 =	vsel vm2, v12, v13;
	v8 =	vsel vm3, v11, v8;
	v10 =	vsel vm3, v14, v10  }
0x14f: {  	vm1 =	vmand vm1, vm15;
	vm2 =	veq.f32 v8, v7;
	vm3 =	vlt.u32 v10, v63  }
0x150: {  	vm0 =	vmor vm0, vm1;
	vm1 =	vlt.f32 v8, v7;
	vm2 =	vmand vm2, vm3  }
0x151: {  	v4 =	vsel vm0, v6, v4;
	vm1 =	vmor vm1, vm2  }
0x152: {  	v3 =	vsel vm0, v5, v3;
	v5 =	vsel vm1, v8, v7;
	v6 =	vsel vm1, v10, v63  }
0x153: {  	vm0 =	veq.f32 v5, v4;
	vm1 =	vlt.u32 v6, v3  }
0x154: {  	vm2 =	vlt.f32 v5, v4;
	vm0 =	vmand vm0, vm1  }
0x155: {  	vm0 =	vmor vm2, vm0  }
0x156: {  	v4 =	vsel vm0, v5, v4  }
0x157: {  	(xrf0) =	vmin.scan.msk.f32 $0xffff, v4;
	_ =	sdelay $0x5  }
0x158: {  	v5, _, _ =	vpop (xrf0)  }
0x159: {  	v3 =	vsel vm0, v6, v3;
	v5 =	vbroadcast v5, $0xF  }
0x15a: {  	v3 =	vshll.u32 v3, $0x4  }
0x15b: {  	v3 =	vor.u32 v2, v3;
	vm0 =	veq.f32 v4, v5  }
0x15c: {  	v3 =	vnsel vm0, $0x80000400, v3  }
0x15d: {  	(xrf0) =	vmin.scan.msk.u32 $0xffff, v3;
	_ =	sdelay $0x5  }
0x15e: {  	v3, _, _ =	vpop (xrf0)  }
0x15f: {  	(v2sf) =	vpush v3, $0xF;
	_ =	sdelay $0xb  }
0x160: {  	s29 =	sadd.s32 $0x10020, s16  }
0x161: {  	v3 =	vmov s29  }
0x162: {  	s30 =	sand.u32 $0xF, s18  }
0x163: {  	s16 =	simm.s32 $0x1;
	p2 =	sne.s32 s30, $0xF;
	v5 =	vmov s30;
	s31 =	spop (v2sf)  }
0x164: {  	s20 =	simm.s32 $0x80;
	s19 =	simm.s32 $0x400;
	v4 =	vimm.s32 $0x0;
	vm0 =	veq.s32 v5, v0;
	s21 =	sxor.u32 $0x80000000, s31  }
.LBB2_5:
0x165: {  	s22 =	sand.u32 $0x6000, s19;
	s23 =	sand.u32 $0x380, s20;
	v4 =	vsel vm0, s21, v4;
	s18 =	sand.u32 @!p2 $0x10, s18  }
0x166: {  	s21 =	sor.u32 s23, s22;
	[tilespmem:v3+s18+$0x0 ss:$0x1] =	vst.idx.msk @!p2 $0xffff, v4;
	s18 =	smov.u32 s16  }
0x167: {  	v5 =	vld [tilespmem:s21+$0x8000]  }
0x168: {  	v6 =	vld [tilespmem:s21+$0x8010]  }
0x169: {  	v7 =	vld [tilespmem:s21+$0x8020]  }
0x16a: {  	v8 =	vld [tilespmem:s21+$0x8030];
	_ =	sdelay $0x1  }
0x16b: {  	v9 =	vld [tilespmem:s21+$0x8400]  }
0x16c: {  	vm0 =	vlt.f32 v5, $+Inf;
	vm1 =	vlt.f32 v6, $+Inf;
	v10 =	vld [tilespmem:s21+$0x8410]  }
0x16d: {  	vm2 =	vgt.f32 v6, $+Inf;
	vm3 =	vlt.f32 v7, $+Inf;
	vm4 =	vgt.f32 v7, $+Inf;
	v11 =	vld [tilespmem:s21+$0x8420]  }
0x16e: {  	v5 =	vnsel vm0, $0x7F800000, v5;
	vm0 =	vlt.f32 v8, $+Inf;
	vm5 =	vgt.f32 v8, $+Inf;
	v12 =	vld [tilespmem:s21+$0x8430]  }
0x16f: {  	vm1 =	vmor vm2, vm1;
	vm2 =	vmor vm4, vm3;
	vm0 =	vmor vm5, vm0;
	v13 =	vld [tilespmem:s21+$0x8800]  }
0x170: {  	v14 =	vsel vm1, $0x1, v1;
	v15 =	vsel vm2, $0x2, v1;
	v16 =	vsel vm0, $0x3, v1;
	v17 =	vld [tilespmem:s21+$0x8810]  }
0x171: {  	s22 =	sor.u32 s22, s20;
	v6 =	vnsel vm1, $0x7F800000, v6;
	v7 =	vnsel vm2, $0x7F800000, v7;
	vm1 =	vlt.f32 v9, v5;
	v18 =	vld [tilespmem:s21+$0x8820]  }
0x172: {  	s22 =	sor.u32 $0x8C00, s22;
	v8 =	vnsel vm0, $0x7F800000, v8;
	v5 =	vsel vm1, v9, v5;
	v9 =	vsel vm1, $0x8, v1;
	v19 =	vld [tilespmem:s21+$0x8830]  }
0x173: {  	vm0 =	vlt.f32 v10, v6;
	vm1 =	vlt.f32 v11, v7;
	vm2 =	vlt.f32 v12, v8;
	v20 =	vld [tilespmem:s22+$0x0]  }
0x174: {  	v14 =	vsel vm0, $0x9, v14;
	v15 =	vsel vm1, $0xA, v15;
	v16 =	vsel vm2, $0xB, v16;
	v21 =	vld [tilespmem:s22+$0x10]  }
0x175: {  	v6 =	vsel vm0, v10, v6;
	v7 =	vsel vm1, v11, v7;
	vm0 =	vlt.f32 v13, v5;
	v10 =	vld [tilespmem:s22+$0x20]  }
0x176: {  	v8 =	vsel vm2, v12, v8;
	v5 =	vsel vm0, v13, v5;
	v9 =	vsel vm0, $0x10, v9;
	v11 =	vld [tilespmem:s22+$0x30]  }
0x177: {  	vm0 =	vlt.f32 v17, v6;
	vm1 =	vlt.f32 v18, v7;
	vm2 =	vlt.f32 v19, v8;
	v12 =	vld [tilespmem:s21+$0x9000]  }
0x178: {  	v13 =	vsel vm0, $0x11, v14;
	v14 =	vsel vm1, $0x12, v15;
	v15 =	vsel vm2, $0x13, v16;
	v16 =	vld [tilespmem:s21+$0x9010]  }
0x179: {  	v6 =	vsel vm0, v17, v6;
	v7 =	vsel vm1, v18, v7;
	vm0 =	vlt.f32 v20, v5;
	v17 =	vld [tilespmem:s21+$0x9020]  }
0x17a: {  	v8 =	vsel vm2, v19, v8;
	v5 =	vsel vm0, v20, v5;
	v9 =	vsel vm0, $0x18, v9;
	v18 =	vld [tilespmem:s21+$0x9030]  }
0x17b: {  	vm0 =	vlt.f32 v21, v6;
	vm1 =	vlt.f32 v10, v7;
	vm2 =	vlt.f32 v11, v8;
	v19 =	vld [tilespmem:s21+$0x9400]  }
0x17c: {  	v13 =	vsel vm0, $0x19, v13;
	v14 =	vsel vm1, $0x1A, v14;
	v15 =	vsel vm2, $0x1B, v15;
	v20 =	vld [tilespmem:s21+$0x9410]  }
0x17d: {  	v6 =	vsel vm0, v21, v6;
	v7 =	vsel vm1, v10, v7;
	vm0 =	vlt.f32 v12, v5;
	v10 =	vld [tilespmem:s21+$0x9420]  }
0x17e: {  	v8 =	vsel vm2, v11, v8;
	v5 =	vsel vm0, v12, v5;
	v9 =	vsel vm0, $0x20, v9;
	v11 =	vld [tilespmem:s21+$0x9430]  }
0x17f: {  	vm0 =	vlt.f32 v16, v6;
	vm1 =	vlt.f32 v17, v7;
	vm2 =	vlt.f32 v18, v8;
	v12 =	vld [tilespmem:s21+$0x9800]  }
0x180: {  	v13 =	vsel vm0, $0x21, v13;
	v14 =	vsel vm1, $0x22, v14;
	v15 =	vsel vm2, $0x23, v15;
	v21 =	vld [tilespmem:s21+$0x9810]  }
0x181: {  	s23 =	sor.u32 s19, s20;
	v6 =	vsel vm0, v16, v6;
	v7 =	vsel vm1, v17, v7;
	vm0 =	vlt.f32 v19, v5;
	v16 =	vld [tilespmem:s21+$0x9820]  }
0x182: {  	s23 =	sor.u32 $0x9C00, s23;
	v8 =	vsel vm2, v18, v8;
	v5 =	vsel vm0, v19, v5;
	v9 =	vsel vm0, $0x28, v9;
	v17 =	vld [tilespmem:s21+$0x9830]  }
0x183: {  	vm0 =	vlt.f32 v20, v6;
	vm1 =	vlt.f32 v10, v7;
	vm2 =	vlt.f32 v11, v8;
	v18 =	vld [tilespmem:s23+$0x0]  }
0x184: {  	v13 =	vsel vm0, $0x29, v13;
	v14 =	vsel vm1, $0x2A, v14;
	v15 =	vsel vm2, $0x2B, v15;
	v19 =	vld [tilespmem:s23+$0x10]  }
0x185: {  	v6 =	vsel vm0, v20, v6;
	v7 =	vsel vm1, v10, v7;
	vm0 =	vlt.f32 v12, v5;
	v10 =	vld [tilespmem:s23+$0x20]  }
0x186: {  	v8 =	vsel vm2, v11, v8;
	v5 =	vsel vm0, v12, v5;
	v9 =	vsel vm0, $0x30, v9;
	v11 =	vld [tilespmem:s23+$0x30]  }
0x187: {  	vm0 =	vlt.f32 v21, v6;
	vm1 =	vlt.f32 v16, v7;
	vm2 =	vlt.f32 v17, v8  }
0x188: {  	v12 =	vsel vm0, $0x31, v13;
	v13 =	vsel vm1, $0x32, v14;
	v14 =	vsel vm2, $0x33, v15  }
0x189: {  	v6 =	vsel vm0, v21, v6;
	v7 =	vsel vm1, v16, v7;
	vm0 =	vlt.f32 v18, v5  }
0x18a: {  	v8 =	vsel vm2, v17, v8;
	v5 =	vsel vm0, v18, v5;
	v9 =	vsel vm0, $0x38, v9;
	v15 =	vld [tilespmem:s21+$0x8060]  }
0x18b: {  	vm0 =	vlt.f32 v19, v6;
	vm1 =	vlt.f32 v10, v7;
	vm2 =	vlt.f32 v11, v8  }
0x18c: {  	v6 =	vsel vm0, v19, v6;
	v12 =	vsel vm0, $0x39, v12;
	v7 =	vsel vm1, v10, v7  }
0x18d: {  	v13 =	vsel vm1, $0x3A, v13;
	v8 =	vsel vm2, v11, v8;
	v11 =	vsel vm2, $0x3B, v14;
	v10 =	vld [tilespmem:s21+$0x8460]  }
0x18e: {  	vm0 =	vlt.f32 v6, v5;
	vm1 =	veq.f32 v6, v5;
	vm2 =	vlt.f32 v8, v7  }
0x18f: {  	vm5 =	vlt.u32 v12, v9;
	vm3 =	vlt.f32 v15, $+Inf;
	vm4 =	vgt.f32 v15, $+Inf;
	v14 =	vld [tilespmem:s21+$0x8860]  }
0x190: {  	vm6 =	vlt.u32 v11, v13;
	vm3 =	vmor vm4, vm3;
	v16 =	vld [tilespmem:s22+$0x60];
	vm4 =	veq.f32 v8, v7  }
0x191: {  	vm1 =	vmand vm1, vm5;
	v17 =	vld [tilespmem:s21+$0x8050];
	v15 =	vnsel vm3, $0x7F800000, v15;
	vm4 =	vmand vm4, vm6  }
0x192: {  	vm0 =	vmor vm0, vm1;
	vm5 =	vlt.f32 v10, v15;
	vm1 =	vmor vm2, vm4  }
0x193: {  	v6 =	vsel vm0, v6, v5;
	v5 =	vsel vm0, v12, v9;
	v10 =	vsel vm5, v10, v15;
	v15 =	vld [tilespmem:s21+$0x9060]  }
0x194: {  	v8 =	vsel vm1, v8, v7;
	v7 =	vsel vm1, v11, v13;
	v9 =	vld [tilespmem:s21+$0x8450];
	vm4 =	vlt.f32 v14, v10  }
0x195: {  	vm0 =	vlt.f32 v8, v6;
	vm1 =	veq.f32 v8, v6;
	v10 =	vsel vm4, v14, v10;
	v11 =	vld [tilespmem:s21+$0x9460]  }
0x196: {  	vm2 =	vlt.f32 v17, $+Inf;
	vm6 =	vgt.f32 v17, $+Inf;
	v12 =	vld [tilespmem:s21+$0x8850];
	vm7 =	vlt.f32 v16, v10  }
0x197: {  	v13 =	vsel vm3, $0x6, v1;
	vm2 =	vmor vm6, vm2;
	v10 =	vsel vm7, v16, v10;
	v14 =	vld [tilespmem:s21+$0x9860]  }
0x198: {  	v13 =	vsel vm5, $0xE, v13;
	v16 =	vnsel vm2, $0x7F800000, v17;
	v17 =	vld [tilespmem:s22+$0x50];
	vm3 =	vlt.f32 v15, v10  }
0x199: {  	v13 =	vsel vm4, $0x16, v13;
	vm5 =	vlt.f32 v9, v16;
	v10 =	vsel vm3, v15, v10;
	v15 =	vld [tilespmem:s23+$0x60]  }
0x19a: {  	v13 =	vsel vm7, $0x1E, v13;
	v9 =	vsel vm5, v9, v16;
	v16 =	vld [tilespmem:s21+$0x9050];
	vm4 =	vlt.f32 v11, v10  }
0x19b: {  	v13 =	vsel vm3, $0x26, v13;
	vm6 =	vlt.f32 v12, v9;
	v18 =	vld [tilespmem:s21+$0x9450];
	v10 =	vsel vm4, v11, v10  }
0x19c: {  	v11 =	vld [tilespmem:s21+$0x8040];
	v9 =	vsel vm6, v12, v9;
	v12 =	vsel vm4, $0x2E, v13;
	vm3 =	vlt.f32 v14, v10  }
0x19d: {  	vm4 =	vlt.f32 v17, v9;
	v10 =	vsel vm3, v14, v10;
	v12 =	vsel vm3, $0x36, v12;
	v13 =	vld [tilespmem:s23+$0x50]  }
0x19e: {  	v14 =	vsel vm2, $0x5, v1;
	v9 =	vsel vm4, v17, v9;
	v17 =	vld [tilespmem:s21+$0x9850];
	vm2 =	vlt.f32 v15, v10  }
0x19f: {  	s16 =	sadd.s32 $0x1, s16;
	v14 =	vsel vm5, $0xD, v14;
	v19 =	vld [tilespmem:s21+$0x8440];
	vm5 =	vlt.f32 v16, v9;
	v10 =	vsel vm2, v15, v10  }
0x1a0: {  	p1 =	sne.s32 s16, $0x20;
	v14 =	vsel vm6, $0x15, v14;
	v12 =	vsel vm2, $0x3E, v12;
	v15 =	vld [tilespmem:s21+$0x8840];
	v9 =	vsel vm5, v16, v9  }
0x1a1: {  	vm2 =	vlt.f32 v11, $+Inf;
	vm3 =	vgt.f32 v11, $+Inf;
	v16 =	vld [tilespmem:s21+$0x8070];
	vm6 =	vlt.f32 v18, v9  }
0x1a2: {  	v14 =	vsel vm4, $0x1D, v14;
	vm3 =	vmor vm3, vm2;
	v9 =	vsel vm6, v18, v9  }
0x1a3: {  	v14 =	vsel vm5, $0x25, v14;
	v11 =	vnsel vm3, $0x7F800000, v11;
	v18 =	vld [tilespmem:s22+$0x40];
	vm2 =	vlt.f32 v17, v9  }
0x1a4: {  	v14 =	vsel vm6, $0x2D, v14;
	vm4 =	vlt.f32 v19, v11;
	v20 =	vld [tilespmem:s21+$0x8470];
	v9 =	vsel vm2, v17, v9  }
0x1a5: {  	v14 =	vsel vm2, $0x35, v14;
	v11 =	vsel vm4, v19, v11;
	v17 =	vld [tilespmem:s21+$0x9040];
	vm5 =	vlt.f32 v13, v9  }
0x1a6: {  	vm2 =	vlt.f32 v16, $+Inf;
	vm6 =	vgt.f32 v16, $+Inf;
	vm7 =	vlt.f32 v15, v11;
	v19 =	vld [tilespmem:s21+$0x8870]  }
0x1a7: {  	v9 =	vsel vm5, v13, v9;
	vm2 =	vmor vm6, vm2;
	v11 =	vsel vm7, v15, v11;
	v15 =	vld [tilespmem:s21+$0x9440]  }
0x1a8: {  	v14 =	vsel vm5, $0x3D, v14;
	v13 =	vnsel vm2, $0x7F800000, v16;
	vm6 =	vlt.f32 v18, v11;
	v16 =	vld [tilespmem:s22+$0x70]  }
0x1a9: {  	v21 =	vsel vm3, $0x4, v1;
	vm3 =	vlt.f32 v20, v13;
	v11 =	vsel vm6, v18, v11;
	v18 =	vld [tilespmem:s21+$0x9840]  }
0x1aa: {  	v21 =	vsel vm4, $0xC, v21;
	v13 =	vsel vm3, v20, v13;
	vm4 =	vlt.f32 v17, v11;
	v20 =	vld [tilespmem:s21+$0x9070]  }
0x1ab: {  	v21 =	vsel vm7, $0x14, v21;
	vm5 =	vlt.f32 v19, v13;
	v11 =	vsel vm4, v17, v11;
	v17 =	vld [tilespmem:s23+$0x40]  }
0x1ac: {  	v13 =	vsel vm5, v19, v13;
	v19 =	vsel vm6, $0x1C, v21;
	vm6 =	vlt.f32 v15, v11;
	v21 =	vld [tilespmem:s21+$0x9470]  }
0x1ad: {  	vm7 =	vlt.f32 v16, v13;
	v19 =	vsel vm4, $0x24, v19;
	v11 =	vsel vm6, v15, v11  }
0x1ae: {  	v13 =	vsel vm7, v16, v13;
	v15 =	vsel vm6, $0x2C, v19;
	vm4 =	vlt.f32 v18, v11;
	v16 =	vld [tilespmem:s21+$0x9870]  }
0x1af: {  	v19 =	vsel vm2, $0x7, v1;
	vm2 =	vlt.f32 v20, v13;
	v15 =	vsel vm4, $0x34, v15  }
0x1b0: {  	v19 =	vsel vm3, $0xF, v19;
	v11 =	vsel vm4, v18, v11;
	v13 =	vsel vm2, v20, v13;
	v18 =	vld [tilespmem:s23+$0x70]  }
0x1b1: {  	v19 =	vsel vm5, $0x17, v19;
	vm4 =	vlt.f32 v17, v11;
	vm3 =	vlt.f32 v21, v13  }
0x1b2: {  	v19 =	vsel vm7, $0x1F, v19;
	v11 =	vsel vm4, v17, v11;
	v13 =	vsel vm3, v21, v13  }
0x1b3: {  	v15 =	vsel vm4, $0x3C, v15;
	v17 =	vsel vm2, $0x27, v19;
	vm2 =	vlt.f32 v16, v13  }
0x1b4: {  	v17 =	vsel vm3, $0x2F, v17;
	vm3 =	vlt.f32 v9, v11;
	v13 =	vsel vm2, v16, v13  }
0x1b5: {  	vm4 =	veq.f32 v9, v11;
	v16 =	vsel vm2, $0x37, v17;
	vm2 =	vlt.f32 v18, v13  }
0x1b6: {  	v13 =	vsel vm2, v18, v13;
	v16 =	vsel vm2, $0x3F, v16;
	vm2 =	vlt.u32 v14, v15  }
0x1b7: {  	vm2 =	vmand vm4, vm2;
	vm4 =	veq.f32 v13, v10;
	vm5 =	vlt.u32 v16, v12  }
0x1b8: {  	vm2 =	vmor vm3, vm2;
	vm3 =	vlt.f32 v13, v10;
	vm4 =	vmand vm4, vm5  }
0x1b9: {  	v9 =	vsel vm2, v9, v11;
	vm3 =	vmor vm3, vm4;
	vm4 =	vlt.u32 v7, v5  }
0x1ba: {  	v11 =	vsel vm2, v14, v15;
	v10 =	vsel vm3, v13, v10;
	v12 =	vsel vm3, v16, v12  }
0x1bb: {  	vm1 =	vmand vm1, vm4;
	vm2 =	veq.f32 v10, v9;
	vm3 =	vlt.u32 v12, v11  }
0x1bc: {  	vm0 =	vmor vm0, vm1;
	vm1 =	vlt.f32 v10, v9;
	vm2 =	vmand vm2, vm3  }
0x1bd: {  	v6 =	vsel vm0, v8, v6;
	vm1 =	vmor vm1, vm2  }
0x1be: {  	v5 =	vsel vm0, v7, v5;
	v7 =	vsel vm1, v10, v9;
	v8 =	vsel vm1, v12, v11  }
0x1bf: {  	vm0 =	veq.f32 v7, v6;
	vm1 =	vlt.u32 v8, v5  }
0x1c0: {  	vm2 =	vlt.f32 v7, v6;
	vm0 =	vmand vm0, vm1  }
0x1c1: {  	vm0 =	vmor vm2, vm0  }
0x1c2: {  	v6 =	vsel vm0, v7, v6;
	v5 =	vsel vm0, v8, v5  }
0x1c3: {  	(xrf0) =	vmin.scan.msk.f32 $0xffff, v6;
	_ =	sdelay $0x5  }
0x1c4: {  	v7, _, _ =	vpop (xrf0)  }
0x1c5: {  	v7 =	vbroadcast v7, $0xF  }
0x1c6: {  	v5 =	vshll.u32 v5, $0x4  }
0x1c7: {  	v5 =	vor.u32 v2, v5;
	vm0 =	veq.f32 v6, v7  }
0x1c8: {  	v5 =	vnsel vm0, $0x80000400, v5  }
0x1c9: {  	(xrf0) =	vmin.scan.msk.u32 $0xffff, v5;
	_ =	sdelay $0x5  }
0x1ca: {  	v5, _, _ =	vpop (xrf0)  }
0x1cb: {  	(v2sf) =	vpush v5, $0xF;
	_ =	sdelay $0xb  }
.Ltmp3:
0x1cc: {  	(pc) =	sbr.rel @p1 .LBB2_5-.Ltmp3, $4  }
0x1cd: {  	_ = 	snop  }
0x1ce: {  	s22 =	sand.u32 $0xF, s18  }
0x1cf: {  	s19 =	sadd.s32 $0x400, s19;
	v5 =	vmov s22;
	s21 =	spop (v2sf)  }
0x1d0: {  	s20 =	sadd.s32 $0x80, s20;
	p2 =	sne.s32 s22, $0xF;
	vm0 =	veq.s32 v5, v0;
	s21 =	sxor.u32 $0x80000000, s21  }
.Ltmp4:
0x1d1: {  	_ = 	snop;
	(pc) =	sbr.rel @p0 .LBB2_8-.Ltmp4, $3  }
0x1d2: {  	_ =	sdelay $0x1  }
0x1d3: {  	v4 =	vsel vm0, s21, v4;
	s16 =	sand.u32 @!p2 $0x10, s18  }
0x1d4: {  	[tilespmem:v3+s16+$0x0 ss:$0x1] =	vst.idx.msk @!p2 $0xffff, v4  }
.Ltmp5:
0x1d5: {  	(pc) =	sbr.rel .LBB2_2-.Ltmp5, $3  }
0x1d6: {  	_ =	sdelay $0x1  }
0x1d7: {  	s16 =	sadd.s32 s17, s6;
	s15 =	sadd.s32 $0x1, s15  }
0x1d8: {  	[tilespmem:s9], [sflag:$0x2] =	stream.linear.gather [hbm4b:s16+s2], $0x8000, $0x38;
	[tilespmem:$0x10180] =	vst v63  }
.LBB2_9:
0x1d9: {  	_ =	sfence.sel $0x180000  }
0x1da: {  	[bflag:$0x0] =	sbarrier.arrive $0xFFFF  }
0x1db: {  	p0 =	sne.s32 s0, $0x0;
	_ =	strace $0x90000047  }
0x1dc: {  	s0 =	sadd.s32 @!p0 $0x100000, s1;
	[bflag:$0x2] =	sbarrier.arrive $0xFFFF  }
0x1dd: {  	[sflag:s0] =	ssyncadd.tile.s32 @!p0 $0x1;
	_ =	shalt  }
.Lfunc_end2:
_tile_overlayer_lowered:
.L_overlay_start_2:
0x1de: {  	(tag) =	ssettag $0x2  }
0x1df: {  	s0 =	rddreg [dreg:$0x0];
	s2 =	stileid.u32  }
0x1e0: {  	s1 =	rddreg [dreg:$0x1];
	p0 =	sne.s32 s2, $0x0  }
0x1e1: {  	s3 =	rddreg [dreg:$0x2];
	[bflag:$0x3] =	sbarrier.arrive $0xFFFF;
	s2 =	simm.s32 @!p0 $0x1C03  }
0x1e2: {  	[timem:s3], [sflag:s2] =	dma.local @!p0 [hbm:s0], s1  }
0x1e3: {  	s0 =	simm.s32 @!p0 $0x3  }
0x1e4: {  	_ =	swait.ge @!p0 [sflag:s0], s1  }
0x1e5: {  	s1 =	ssub.s32 @!p0 $0x0, s1;
	[sflag:s0] =	ssyncset.done @!p0 $0x0  }
0x1e6: {  	[sflag:s0] =	ssyncadd.s32 @!p0 s1  }
0x1e7: {  	[bflag:$0x3] =	sbarrier.arrive $0xFFFF  }
0x1e8: {  	_ =	shalt  }

</sc_bundles>
